<compile_context>
chip_gen: v7x
topology: tpu7x:2x2x1
jax: 0.10.2.dev20260603
libtpu: 0.0.44.dev20260713+nightly
codegen_flags: <defaults>
</compile_context>

<pallas_src>
import functools

import jax
import jax.numpy as jnp
from jax import lax
from jax.experimental import pallas as pl
from jax.experimental.pallas import tpu as pltpu
from jax.experimental.pallas import tpu_sc as plsc

N = 10000
D = 128
E = 320000
NP = 10240
NC = 2
NS = 16
NW = NC * NS
K = 128
CPW = 2 * (-(-E // (NW * K * 2)))
EPW = CPW * K
EP = NW * EPW
RPT = NP // NS
QC = 80
SEGQ = 40
TCH = NS * NC * QC
BR = 1024
RB = NP // BR


@functools.cache
def _sc_mesh():
    return plsc.VectorSubcoreMesh(
        core_axis_name="c", subcore_axis_name="s", num_cores=NC, num_subcores=NS
    )


def _deg_body(dst_hbm, out_hbm, idx_v, deg_v):
    c = lax.axis_index("c")
    s = lax.axis_index("s")
    wid = s * NC + c

    def zero_body(i, carry):
        deg_v[pl.ds(i * 16, 16)] = jnp.zeros((16,), jnp.float32)
        return carry

    lax.fori_loop(0, NP // 16, zero_body, 0)
    pltpu.sync_copy(dst_hbm.at[wid], idx_v)
    ones = jnp.ones((16,), jnp.float32)

    def cnt_body(i, carry):
        idx = idx_v[pl.ds(i * 16, 16)]
        plsc.addupdate_scatter(deg_v, [idx], ones)
        return carry

    lax.fori_loop(0, EPW // 16, cnt_body, 0)
    pltpu.sync_copy(deg_v, out_hbm.at[wid])


@functools.cache
def _deg_kernel():
    return pl.kernel(
        _deg_body,
        out_type=jax.ShapeDtypeStruct((NW, NP), jnp.float32),
        mesh=_sc_mesh(),
        scratch_types=[
            pltpu.VMEM((EPW,), jnp.int32),
            pltpu.VMEM((NP,), jnp.float32),
        ],
        compiler_params=pltpu.CompilerParams(needs_layout_passes=False),
    )


def _scatter_body(y_hbm, src_hbm, dst_hbm, out_hbm, sidx_v, didx_v,
                  rows_a, rows_b, acc_sh, sem_a, sem_b):
    c = lax.axis_index("c")
    s = lax.axis_index("s")
    r0 = s * RPT
    pltpu.sync_copy(y_hbm.at[pl.ds(r0, RPT)], acc_sh.at[pl.ds(r0, RPT)])
    plsc.subcore_barrier()

    base0 = (c * NS + s) * QC
    for h in range(QC // SEGQ):
        b0 = pl.multiple_of(base0 + h * SEGQ, 8)
        pltpu.sync_copy(src_hbm.at[pl.ds(b0, SEGQ)], sidx_v)
        pltpu.sync_copy(dst_hbm.at[pl.ds(b0, SEGQ)], didx_v)
        pltpu.async_copy(y_hbm.at[sidx_v.at[0]], rows_a, sem_a)

        def body(i, carry):
            j0 = 2 * i
            pltpu.async_copy(y_hbm.at[sidx_v.at[j0 + 1]], rows_b, sem_b)
            pltpu.make_async_copy(y_hbm.at[sidx_v.at[j0]], rows_a, sem_a).wait()
            pltpu.sync_copy(rows_a, acc_sh.at[didx_v.at[j0]], add=True)

            @pl.when(i < SEGQ // 2 - 1)
            def _():
                pltpu.async_copy(y_hbm.at[sidx_v.at[j0 + 2]], rows_a, sem_a)

            pltpu.make_async_copy(y_hbm.at[sidx_v.at[j0 + 1]], rows_b, sem_b).wait()
            pltpu.sync_copy(rows_b, acc_sh.at[didx_v.at[j0 + 1]], add=True)
            return carry

        lax.fori_loop(0, SEGQ // 2, body, 0)

    plsc.subcore_barrier()
    pltpu.sync_copy(acc_sh.at[pl.ds(r0, RPT)], out_hbm.at[c, pl.ds(r0, RPT)])


@functools.cache
def _scatter_kernel():
    return pl.kernel(
        _scatter_body,
        out_type=jax.ShapeDtypeStruct((NC, NP, D), jnp.float32),
        mesh=_sc_mesh(),
        scratch_types=[
            pltpu.VMEM((SEGQ, K), jnp.int32),
            pltpu.VMEM((SEGQ, K), jnp.int32),
            pltpu.VMEM((K, D), jnp.float32),
            pltpu.VMEM((K, D), jnp.float32),
            pltpu.VMEM_SHARED((NP, D), jnp.float32),
            pltpu.SemaphoreType.DMA,
            pltpu.SemaphoreType.DMA,
        ],
        compiler_params=pltpu.CompilerParams(needs_layout_passes=False),
    )



def _tc_a_body(x_ref, w_ref, degp_ref, y_ref, dinv_ref):
    deg = jnp.sum(degp_ref[...], axis=0) + 1.0
    dinv = lax.rsqrt(deg)
    dc = dinv.reshape(BR, 1)
    xw = jnp.dot(x_ref[...], w_ref[...], preferred_element_type=jnp.float32)
    y_ref[...] = dc * xw
    dinv_ref[...] = dc


_tc_a = pl.pallas_call(
    _tc_a_body,
    grid=(RB,),
    in_specs=[
        pl.BlockSpec((BR, D), lambda i: (i, 0)),
        pl.BlockSpec((D, D), lambda i: (0, 0)),
        pl.BlockSpec((NW, BR), lambda i: (0, i)),
    ],
    out_specs=[
        pl.BlockSpec((BR, D), lambda i: (i, 0)),
        pl.BlockSpec((BR, 1), lambda i: (i, 0)),
    ],
    out_shape=[
        jax.ShapeDtypeStruct((NP, D), jnp.float32),
        jax.ShapeDtypeStruct((NP, 1), jnp.float32),
    ],
)


def _tc_b_body(sp_ref, y1_ref, dinv_ref, b1_ref, w2_ref, y2_ref):
    t = sp_ref[0] + sp_ref[1] - y1_ref[...]
    h = jnp.maximum(dinv_ref[...] * t + b1_ref[...], 0.0)
    hw = jnp.dot(h, w2_ref[...], preferred_element_type=jnp.float32)
    y2_ref[...] = dinv_ref[...] * hw


_tc_b = pl.pallas_call(
    _tc_b_body,
    grid=(RB,),
    in_specs=[
        pl.BlockSpec((NC, BR, D), lambda i: (0, i, 0)),
        pl.BlockSpec((BR, D), lambda i: (i, 0)),
        pl.BlockSpec((BR, 1), lambda i: (i, 0)),
        pl.BlockSpec((1, D), lambda i: (0, 0)),
        pl.BlockSpec((D, D), lambda i: (0, 0)),
    ],
    out_specs=pl.BlockSpec((BR, D), lambda i: (i, 0)),
    out_shape=jax.ShapeDtypeStruct((NP, D), jnp.float32),
)


def _tc_c_body(sp_ref, y2_ref, dinv_ref, b2_ref, out_ref):
    t = sp_ref[0] + sp_ref[1] - y2_ref[...]
    z = dinv_ref[...] * t + b2_ref[...]
    m = jnp.max(z, axis=1, keepdims=True)
    lse = jnp.log(jnp.sum(jnp.exp(z - m), axis=1, keepdims=True)) + m
    out_ref[...] = z - lse


BRC = N // RB

_tc_c = pl.pallas_call(
    _tc_c_body,
    grid=(RB,),
    in_specs=[
        pl.BlockSpec((NC, BRC, D), lambda i: (0, i, 0)),
        pl.BlockSpec((BRC, D), lambda i: (i, 0)),
        pl.BlockSpec((BRC, 1), lambda i: (i, 0)),
        pl.BlockSpec((1, D), lambda i: (0, 0)),
    ],
    out_specs=pl.BlockSpec((BRC, D), lambda i: (i, 0)),
    out_shape=jax.ShapeDtypeStruct((N, D), jnp.float32),
)



def kernel(x, edge_index, W1, b1, W2, b2):
    src = edge_index[0].astype(jnp.int32)
    dst = edge_index[1].astype(jnp.int32)
    pad_iota = jnp.arange(EP - E, dtype=jnp.int32) % (NP - N)
    pad_src = N + pad_iota
    pad_dst = N + pad_iota
    src_p = jnp.concatenate([src, pad_src]).reshape(TCH, K)
    dst_p = jnp.concatenate([dst, pad_dst]).reshape(TCH, K)
    dst_flat = dst_p.reshape(NW, EPW)
    xp = jnp.concatenate([x, jnp.zeros((NP - N, D), x.dtype)], axis=0)
    b1r = b1.reshape(1, D)
    b2r = b2.reshape(1, D)

    degp = _deg_kernel()(dst_flat)
    y1, dinv = _tc_a(xp, W1, degp)
    s1 = _scatter_kernel()(y1, src_p, dst_p)
    y2 = _tc_b(s1, y1, dinv, b1r, W2)
    s2 = _scatter_kernel()(y2, src_p, dst_p)
    return _tc_c(s2, y2, dinv, b2r)

# --- scband reference (transcript-rebuilt; emitter-appended) ---
"""Pipeline reference for scband-gcn-17815524343826 (READ-ONLY COPY).

The authoritative reference and input builder live on the scoring server;
editing this copy changes nothing except your own understanding.
"""

import jax, jax.numpy as jnp
import numpy as np

N_NODES = 10000
N_EDGES = 320000
D_IN = 128
D_HID = 128
D_OUT = 128


def setup_inputs(seed: int = 0) -> dict:
    key = jax.random.key(seed)
    k1, k2, k3, k4, k5, k6 = jax.random.split(key, 6)
    x = jax.random.normal(k1, (N_NODES, D_IN), dtype=jnp.float32)
    edge_index = jax.random.randint(k2, (2, N_EDGES), 0, N_NODES, dtype=jnp.int64)
    W1 = jax.random.normal(k3, (D_IN, D_HID), dtype=jnp.float32) * (1.0 / np.sqrt(D_IN))
    b1 = jnp.zeros((D_HID,), dtype=jnp.float32)
    W2 = jax.random.normal(k4, (D_HID, D_OUT), dtype=jnp.float32) * (1.0 / np.sqrt(D_HID))
    b2 = jnp.zeros((D_OUT,), dtype=jnp.float32)
    return {"x": x, "edge_index": edge_index, "W1": W1, "b1": b1, "W2": W2, "b2": b2}


def gcn_conv(x, edge_index, W, b):
    num_nodes = x.shape[0]
    xw = x @ W
    src = edge_index[0]
    dst = edge_index[1]
    # add self-loops (PyG GCNConv default)
    loop = jnp.arange(num_nodes, dtype=src.dtype)
    src = jnp.concatenate([src, loop])
    dst = jnp.concatenate([dst, loop])
    # symmetric normalization D^{-1/2} (A+I) D^{-1/2}
    deg = jnp.zeros((num_nodes,), dtype=xw.dtype).at[dst].add(1.0)
    deg_inv_sqrt = jnp.where(deg > 0, jax.lax.rsqrt(deg), 0.0)
    norm = deg_inv_sqrt[src] * deg_inv_sqrt[dst]
    msgs = xw[src] * norm[:, None]
    out = jnp.zeros_like(xw).at[dst].add(msgs)
    return out + b


def reference(x, edge_index, W1, b1, W2, b2):
    h = jax.nn.relu(gcn_conv(x, edge_index, W1, b1))
    h = gcn_conv(h, edge_index, W2, b2)
    return jax.nn.log_softmax(h, axis=1)

if __name__ == "__main__":
    import jax
    _d = setup_inputs()
    print(jax.jit(kernel)(*tuple(_d.values())))

</pallas_src>

<mosaic_0001>
#map = affine_map<(d0, d1) -> (0, 0)>
#map1 = affine_map<(d0, d1) -> (0, 0, 0)>
module attributes {stable_mosaic.version = 14 : i64} {
  func.func @_scatter_body(%arg0: i32, %arg1: i32, %arg2: memref<10240x128xf32, #tpu.memory_space<hbm>>, %arg3: memref<2560x128xi32, #tpu.memory_space<hbm>>, %arg4: memref<2560x128xi32, #tpu.memory_space<hbm>>, %arg5: memref<2x10240x128xf32, #tpu.memory_space<hbm>>, %arg6: memref<40x128xi32, #tpu.memory_space<vmem>>, %arg7: memref<40x128xi32, #tpu.memory_space<vmem>>, %arg8: memref<128x128xf32, #tpu.memory_space<vmem>>, %arg9: memref<128x128xf32, #tpu.memory_space<vmem>>, %arg10: memref<10240x128xf32, #tpu.memory_space<vmem_shared>>, %arg11: memref<!tpu.dma_semaphore, #tpu.memory_space<semaphore_mem>>, %arg12: memref<!tpu.dma_semaphore, #tpu.memory_space<semaphore_mem>>) attributes {dimension_semantics = [#tpu.dimension_semantics<core_parallel>, #tpu.dimension_semantics<subcore_parallel>], iteration_bounds = array<i64: 2, 16>, scalar_prefetch = 0 : i64, scratch_operands = 7 : i64, tpu.core_type = #tpu.core_type<sc_vector_subcore>, window_params = [{transform_indices = #map}, {transform_indices = #map}, {transform_indices = #map}, {transform_indices = #map1}]} {
    %mul3A = arith.constant 640 : i32
    %mul3A_0 = arith.muli %arg1, %mul3A : i32
    "tpu.region"() ({
      %run_scoped3A = tpu.sem_alloc : memref<!tpu.dma_semaphore, #tpu.memory_space<semaphore_mem>>
      %dma_start3A_35 = arith.constant 0 : i32
      %dma_start3A_36 = tpu.memref_slice %arg10[%mul3A_0, %dma_start3A_35] : memref<10240x128xf32, #tpu.memory_space<vmem_shared>> -> memref<640x128xf32, #tpu.memory_space<vmem_shared>>
      %dma_start3A_37 = arith.constant 0 : i32
      %dma_start3A_38 = tpu.memref_slice %arg2[%mul3A_0, %dma_start3A_37] : memref<10240x128xf32, #tpu.memory_space<hbm>> -> memref<640x128xf32, #tpu.memory_space<hbm>>
      tpu.enqueue_dma source(%dma_start3A_38 : memref<640x128xf32, #tpu.memory_space<hbm>>) target(%dma_start3A_36 : memref<640x128xf32, #tpu.memory_space<vmem_shared>>) target_semaphore(%run_scoped3A : memref<!tpu.dma_semaphore, #tpu.memory_space<semaphore_mem>>)
      %dma_wait3A = arith.constant 0 : i32
      %dma_wait3A_39 = tpu.memref_slice %arg10[%mul3A_0, %dma_wait3A] : memref<10240x128xf32, #tpu.memory_space<vmem_shared>> -> memref<640x128xf32, #tpu.memory_space<vmem_shared>>
      %dma_wait3A_40 = arith.constant 0 : i32
      %dma_wait3A_41 = tpu.memref_slice %arg2[%mul3A_0, %dma_wait3A_40] : memref<10240x128xf32, #tpu.memory_space<hbm>> -> memref<640x128xf32, #tpu.memory_space<hbm>>
      tpu.wait_dma2 semaphore(%run_scoped3A : memref<!tpu.dma_semaphore, #tpu.memory_space<semaphore_mem>>) src(%dma_wait3A_41 : memref<640x128xf32, #tpu.memory_space<hbm>>) dst(%dma_wait3A_39 : memref<640x128xf32, #tpu.memory_space<vmem_shared>>)
      tpu.yield
    }) : () -> ()
    %barrier3A = arith.constant 0 : index
    tpu.barrier barrier_id(%barrier3A)
    %mul3A_1 = arith.constant 16 : i32
    %mul3A_2 = arith.muli %arg0, %mul3A_1 : i32
    %add3A = arith.addi %mul3A_2, %arg1 : i32
    %mul3A_3 = arith.constant 80 : i32
    %mul3A_4 = arith.muli %add3A, %mul3A_3 : i32
    %add3A_5 = arith.constant 0 : i32
    %add3A_6 = arith.addi %mul3A_4, %add3A_5 : i32
    %multiple_of3A = tpu.assume_multiple %add3A_6, 8 : i32
    "tpu.region"() ({
      %run_scoped3A = tpu.sem_alloc : memref<!tpu.dma_semaphore, #tpu.memory_space<semaphore_mem>>
      %dma_start3A_35 = arith.constant 0 : i32
      %dma_start3A_36 = tpu.memref_slice %arg3[%multiple_of3A, %dma_start3A_35] : memref<2560x128xi32, #tpu.memory_space<hbm>> -> memref<40x128xi32, #tpu.memory_space<hbm>>
      %dma_start3A_37 = arith.constant 0 : i32
      %dma_start3A_38 = tpu.memref_slice %arg3[%multiple_of3A, %dma_start3A_37] : memref<2560x128xi32, #tpu.memory_space<hbm>> -> memref<40x128xi32, #tpu.memory_space<hbm>>
      tpu.enqueue_dma source(%dma_start3A_38 : memref<40x128xi32, #tpu.memory_space<hbm>>) target(%arg6 : memref<40x128xi32, #tpu.memory_space<vmem>>) target_semaphore(%run_scoped3A : memref<!tpu.dma_semaphore, #tpu.memory_space<semaphore_mem>>)
      %dma_wait3A = arith.constant 0 : i32
      %dma_wait3A_39 = tpu.memref_slice %arg3[%multiple_of3A, %dma_wait3A] : memref<2560x128xi32, #tpu.memory_space<hbm>> -> memref<40x128xi32, #tpu.memory_space<hbm>>
      %dma_wait3A_40 = arith.constant 0 : i32
      %dma_wait3A_41 = tpu.memref_slice %arg3[%multiple_of3A, %dma_wait3A_40] : memref<2560x128xi32, #tpu.memory_space<hbm>> -> memref<40x128xi32, #tpu.memory_space<hbm>>
      tpu.wait_dma2 semaphore(%run_scoped3A : memref<!tpu.dma_semaphore, #tpu.memory_space<semaphore_mem>>) src(%dma_wait3A_41 : memref<40x128xi32, #tpu.memory_space<hbm>>) dst(%arg6 : memref<40x128xi32, #tpu.memory_space<vmem>>)
      tpu.yield
    }) : () -> ()
    "tpu.region"() ({
      %run_scoped3A = tpu.sem_alloc : memref<!tpu.dma_semaphore, #tpu.memory_space<semaphore_mem>>
      %dma_start3A_35 = arith.constant 0 : i32
      %dma_start3A_36 = tpu.memref_slice %arg4[%multiple_of3A, %dma_start3A_35] : memref<2560x128xi32, #tpu.memory_space<hbm>> -> memref<40x128xi32, #tpu.memory_space<hbm>>
      %dma_start3A_37 = arith.constant 0 : i32
      %dma_start3A_38 = tpu.memref_slice %arg4[%multiple_of3A, %dma_start3A_37] : memref<2560x128xi32, #tpu.memory_space<hbm>> -> memref<40x128xi32, #tpu.memory_space<hbm>>
      tpu.enqueue_dma source(%dma_start3A_38 : memref<40x128xi32, #tpu.memory_space<hbm>>) target(%arg7 : memref<40x128xi32, #tpu.memory_space<vmem>>) target_semaphore(%run_scoped3A : memref<!tpu.dma_semaphore, #tpu.memory_space<semaphore_mem>>)
      %dma_wait3A = arith.constant 0 : i32
      %dma_wait3A_39 = tpu.memref_slice %arg4[%multiple_of3A, %dma_wait3A] : memref<2560x128xi32, #tpu.memory_space<hbm>> -> memref<40x128xi32, #tpu.memory_space<hbm>>
      %dma_wait3A_40 = arith.constant 0 : i32
      %dma_wait3A_41 = tpu.memref_slice %arg4[%multiple_of3A, %dma_wait3A_40] : memref<2560x128xi32, #tpu.memory_space<hbm>> -> memref<40x128xi32, #tpu.memory_space<hbm>>
      tpu.wait_dma2 semaphore(%run_scoped3A : memref<!tpu.dma_semaphore, #tpu.memory_space<semaphore_mem>>) src(%dma_wait3A_41 : memref<40x128xi32, #tpu.memory_space<hbm>>) dst(%arg7 : memref<40x128xi32, #tpu.memory_space<vmem>>)
      tpu.yield
    }) : () -> ()
    %dma_start3A = arith.constant 0 : i32
    %dma_start3A_7 = arith.constant 0 : i32
    %dma_start3A_8 = tpu.memref_slice %arg6[%dma_start3A, %dma_start3A_7] : memref<40x128xi32, #tpu.memory_space<vmem>> -> memref<1x128xi32, #tpu.memory_space<vmem>>
    %dma_start3A_9 = tpu.memref_squeeze %dma_start3A_8 : memref<1x128xi32, #tpu.memory_space<vmem>> -> memref<128xi32, #tpu.memory_space<vmem>>
    %dma_start3A_10 = arith.constant 0 : i32
    %dma_start3A_11 = arith.constant 0 : i32
    %dma_start3A_12 = tpu.memref_slice %arg2[%dma_start3A_10, %dma_start3A_11] : memref<10240x128xf32, #tpu.memory_space<hbm>> -> memref<10240x128xf32, #tpu.memory_space<hbm>>
    tpu.enqueue_indirect_dma source(%dma_start3A_12 : memref<10240x128xf32, #tpu.memory_space<hbm>>) target(%arg8 : memref<128x128xf32, #tpu.memory_space<vmem>>) offsets(%dma_start3A_9 : memref<128xi32, #tpu.memory_space<vmem>>) semaphore(%arg11 : memref<!tpu.dma_semaphore, #tpu.memory_space<semaphore_mem>>)
    %scan3A = arith.constant 0 : i32
    %scan3A_13 = arith.constant 0 : i32
    %scan3A_14 = arith.constant 20 : i32
    %scan3A_15 = arith.addi %scan3A_13, %scan3A_14 : i32
    %scan3A_16 = arith.constant 1 : i32
    scf.for %scan3A_35 = %scan3A_13 to %scan3A_15 step %scan3A_16  : i32 {
      %mul3A_36 = arith.constant 2 : i32
      %mul3A_37 = arith.muli %mul3A_36, %scan3A_35 : i32
      %add3A_38 = arith.constant 1 : i32
      %add3A_39 = arith.addi %mul3A_37, %add3A_38 : i32
      %dma_start3A_40 = arith.constant 0 : i32
      %dma_start3A_41 = tpu.memref_slice %arg6[%add3A_39, %dma_start3A_40] : memref<40x128xi32, #tpu.memory_space<vmem>> -> memref<1x128xi32, #tpu.memory_space<vmem>>
      %dma_start3A_42 = tpu.memref_squeeze %dma_start3A_41 : memref<1x128xi32, #tpu.memory_space<vmem>> -> memref<128xi32, #tpu.memory_space<vmem>>
      %dma_start3A_43 = arith.constant 0 : i32
      %dma_start3A_44 = arith.constant 0 : i32
      %dma_start3A_45 = tpu.memref_slice %arg2[%dma_start3A_43, %dma_start3A_44] : memref<10240x128xf32, #tpu.memory_space<hbm>> -> memref<10240x128xf32, #tpu.memory_space<hbm>>
      tpu.enqueue_indirect_dma source(%dma_start3A_45 : memref<10240x128xf32, #tpu.memory_space<hbm>>) target(%arg9 : memref<128x128xf32, #tpu.memory_space<vmem>>) offsets(%dma_start3A_42 : memref<128xi32, #tpu.memory_space<vmem>>) semaphore(%arg12 : memref<!tpu.dma_semaphore, #tpu.memory_space<semaphore_mem>>)
      %dma_wait3A = arith.constant 0 : i32
      %dma_wait3A_46 = tpu.memref_slice %arg6[%mul3A_37, %dma_wait3A] : memref<40x128xi32, #tpu.memory_space<vmem>> -> memref<1x128xi32, #tpu.memory_space<vmem>>
      %dma_wait3A_47 = tpu.memref_squeeze %dma_wait3A_46 : memref<1x128xi32, #tpu.memory_space<vmem>> -> memref<128xi32, #tpu.memory_space<vmem>>
      %dma_wait3A_48 = arith.constant 0 : i32
      %dma_wait3A_49 = arith.constant 0 : i32
      %dma_wait3A_50 = tpu.memref_slice %arg2[%dma_wait3A_48, %dma_wait3A_49] : memref<10240x128xf32, #tpu.memory_space<hbm>> -> memref<10240x128xf32, #tpu.memory_space<hbm>>
      tpu.wait_indirect_dma semaphore(%arg11 : memref<!tpu.dma_semaphore, #tpu.memory_space<semaphore_mem>>) src(%dma_wait3A_50 : memref<10240x128xf32, #tpu.memory_space<hbm>>) dst(%arg8 : memref<128x128xf32, #tpu.memory_space<vmem>>)
      "tpu.region"() ({
        %run_scoped3A = tpu.sem_alloc : memref<!tpu.dma_semaphore, #tpu.memory_space<semaphore_mem>>
        %dma_start3A_63 = arith.constant 0 : i32
        %dma_start3A_64 = tpu.memref_slice %arg7[%mul3A_37, %dma_start3A_63] : memref<40x128xi32, #tpu.memory_space<vmem>> -> memref<1x128xi32, #tpu.memory_space<vmem>>
        %dma_start3A_65 = tpu.memref_squeeze %dma_start3A_64 : memref<1x128xi32, #tpu.memory_space<vmem>> -> memref<128xi32, #tpu.memory_space<vmem>>
        %dma_start3A_66 = arith.constant 0 : i32
        %dma_start3A_67 = arith.constant 0 : i32
        %dma_start3A_68 = tpu.memref_slice %arg10[%dma_start3A_66, %dma_start3A_67] : memref<10240x128xf32, #tpu.memory_space<vmem_shared>> -> memref<10240x128xf32, #tpu.memory_space<vmem_shared>>
        tpu.enqueue_indirect_dma source(%arg8 : memref<128x128xf32, #tpu.memory_space<vmem>>) target(%dma_start3A_68 : memref<10240x128xf32, #tpu.memory_space<vmem_shared>>) offsets(%dma_start3A_65 : memref<128xi32, #tpu.memory_space<vmem>>) semaphore(%run_scoped3A : memref<!tpu.dma_semaphore, #tpu.memory_space<semaphore_mem>>) {add = true}
        %dma_wait3A_69 = arith.constant 0 : i32
        %dma_wait3A_70 = tpu.memref_slice %arg7[%mul3A_37, %dma_wait3A_69] : memref<40x128xi32, #tpu.memory_space<vmem>> -> memref<1x128xi32, #tpu.memory_space<vmem>>
        %dma_wait3A_71 = tpu.memref_squeeze %dma_wait3A_70 : memref<1x128xi32, #tpu.memory_space<vmem>> -> memref<128xi32, #tpu.memory_space<vmem>>
        %dma_wait3A_72 = arith.constant 0 : i32
        %dma_wait3A_73 = arith.constant 0 : i32
        %dma_wait3A_74 = tpu.memref_slice %arg10[%dma_wait3A_72, %dma_wait3A_73] : memref<10240x128xf32, #tpu.memory_space<vmem_shared>> -> memref<10240x128xf32, #tpu.memory_space<vmem_shared>>
        tpu.wait_indirect_dma semaphore(%run_scoped3A : memref<!tpu.dma_semaphore, #tpu.memory_space<semaphore_mem>>) src(%arg8 : memref<128x128xf32, #tpu.memory_space<vmem>>) dst(%dma_wait3A_74 : memref<10240x128xf32, #tpu.memory_space<vmem_shared>>)
        tpu.yield
      }) : () -> ()
      %lt3A = arith.constant 19 : i32
      %lt3A_51 = arith.cmpi slt, %scan3A_35, %lt3A : i32
      %convert_element_type3A = arith.extui %lt3A_51 : i1 to i32
      %cond3A = arith.constant 0 : i32
      %cond3A_52 = arith.cmpi ne, %convert_element_type3A, %cond3A : i32
      scf.if %cond3A_52 {
        %add3A_63 = arith.constant 2 : i32
        %add3A_64 = arith.addi %mul3A_37, %add3A_63 : i32
        %dma_start3A_65 = arith.constant 0 : i32
        %dma_start3A_66 = tpu.memref_slice %arg6[%add3A_64, %dma_start3A_65] : memref<40x128xi32, #tpu.memory_space<vmem>> -> memref<1x128xi32, #tpu.memory_space<vmem>>
        %dma_start3A_67 = tpu.memref_squeeze %dma_start3A_66 : memref<1x128xi32, #tpu.memory_space<vmem>> -> memref<128xi32, #tpu.memory_space<vmem>>
        %dma_start3A_68 = arith.constant 0 : i32
        %dma_start3A_69 = arith.constant 0 : i32
        %dma_start3A_70 = tpu.memref_slice %arg2[%dma_start3A_68, %dma_start3A_69] : memref<10240x128xf32, #tpu.memory_space<hbm>> -> memref<10240x128xf32, #tpu.memory_space<hbm>>
        tpu.enqueue_indirect_dma source(%dma_start3A_70 : memref<10240x128xf32, #tpu.memory_space<hbm>>) target(%arg8 : memref<128x128xf32, #tpu.memory_space<vmem>>) offsets(%dma_start3A_67 : memref<128xi32, #tpu.memory_space<vmem>>) semaphore(%arg11 : memref<!tpu.dma_semaphore, #tpu.memory_space<semaphore_mem>>)
      } else {
      }
      %add3A_53 = arith.constant 1 : i32
      %add3A_54 = arith.addi %mul3A_37, %add3A_53 : i32
      %dma_wait3A_55 = arith.constant 0 : i32
      %dma_wait3A_56 = tpu.memref_slice %arg6[%add3A_54, %dma_wait3A_55] : memref<40x128xi32, #tpu.memory_space<vmem>> -> memref<1x128xi32, #tpu.memory_space<vmem>>
      %dma_wait3A_57 = tpu.memref_squeeze %dma_wait3A_56 : memref<1x128xi32, #tpu.memory_space<vmem>> -> memref<128xi32, #tpu.memory_space<vmem>>
      %dma_wait3A_58 = arith.constant 0 : i32
      %dma_wait3A_59 = arith.constant 0 : i32
      %dma_wait3A_60 = tpu.memref_slice %arg2[%dma_wait3A_58, %dma_wait3A_59] : memref<10240x128xf32, #tpu.memory_space<hbm>> -> memref<10240x128xf32, #tpu.memory_space<hbm>>
      tpu.wait_indirect_dma semaphore(%arg12 : memref<!tpu.dma_semaphore, #tpu.memory_space<semaphore_mem>>) src(%dma_wait3A_60 : memref<10240x128xf32, #tpu.memory_space<hbm>>) dst(%arg9 : memref<128x128xf32, #tpu.memory_space<vmem>>)
      %add3A_61 = arith.constant 1 : i32
      %add3A_62 = arith.addi %mul3A_37, %add3A_61 : i32
      "tpu.region"() ({
        %run_scoped3A = tpu.sem_alloc : memref<!tpu.dma_semaphore, #tpu.memory_space<semaphore_mem>>
        %dma_start3A_63 = arith.constant 0 : i32
        %dma_start3A_64 = tpu.memref_slice %arg7[%add3A_62, %dma_start3A_63] : memref<40x128xi32, #tpu.memory_space<vmem>> -> memref<1x128xi32, #tpu.memory_space<vmem>>
        %dma_start3A_65 = tpu.memref_squeeze %dma_start3A_64 : memref<1x128xi32, #tpu.memory_space<vmem>> -> memref<128xi32, #tpu.memory_space<vmem>>
        %dma_start3A_66 = arith.constant 0 : i32
        %dma_start3A_67 = arith.constant 0 : i32
        %dma_start3A_68 = tpu.memref_slice %arg10[%dma_start3A_66, %dma_start3A_67] : memref<10240x128xf32, #tpu.memory_space<vmem_shared>> -> memref<10240x128xf32, #tpu.memory_space<vmem_shared>>
        tpu.enqueue_indirect_dma source(%arg9 : memref<128x128xf32, #tpu.memory_space<vmem>>) target(%dma_start3A_68 : memref<10240x128xf32, #tpu.memory_space<vmem_shared>>) offsets(%dma_start3A_65 : memref<128xi32, #tpu.memory_space<vmem>>) semaphore(%run_scoped3A : memref<!tpu.dma_semaphore, #tpu.memory_space<semaphore_mem>>) {add = true}
        %dma_wait3A_69 = arith.constant 0 : i32
        %dma_wait3A_70 = tpu.memref_slice %arg7[%add3A_62, %dma_wait3A_69] : memref<40x128xi32, #tpu.memory_space<vmem>> -> memref<1x128xi32, #tpu.memory_space<vmem>>
        %dma_wait3A_71 = tpu.memref_squeeze %dma_wait3A_70 : memref<1x128xi32, #tpu.memory_space<vmem>> -> memref<128xi32, #tpu.memory_space<vmem>>
        %dma_wait3A_72 = arith.constant 0 : i32
        %dma_wait3A_73 = arith.constant 0 : i32
        %dma_wait3A_74 = tpu.memref_slice %arg10[%dma_wait3A_72, %dma_wait3A_73] : memref<10240x128xf32, #tpu.memory_space<vmem_shared>> -> memref<10240x128xf32, #tpu.memory_space<vmem_shared>>
        tpu.wait_indirect_dma semaphore(%run_scoped3A : memref<!tpu.dma_semaphore, #tpu.memory_space<semaphore_mem>>) src(%arg9 : memref<128x128xf32, #tpu.memory_space<vmem>>) dst(%dma_wait3A_74 : memref<10240x128xf32, #tpu.memory_space<vmem_shared>>)
        tpu.yield
      }) : () -> ()
    }
    %scan3A_17 = arith.constant 20 : i32
    %add3A_18 = arith.constant 40 : i32
    %add3A_19 = arith.addi %mul3A_4, %add3A_18 : i32
    %multiple_of3A_20 = tpu.assume_multiple %add3A_19, 8 : i32
    "tpu.region"() ({
      %run_scoped3A = tpu.sem_alloc : memref<!tpu.dma_semaphore, #tpu.memory_space<semaphore_mem>>
      %dma_start3A_35 = arith.constant 0 : i32
      %dma_start3A_36 = tpu.memref_slice %arg3[%multiple_of3A_20, %dma_start3A_35] : memref<2560x128xi32, #tpu.memory_space<hbm>> -> memref<40x128xi32, #tpu.memory_space<hbm>>
      %dma_start3A_37 = arith.constant 0 : i32
      %dma_start3A_38 = tpu.memref_slice %arg3[%multiple_of3A_20, %dma_start3A_37] : memref<2560x128xi32, #tpu.memory_space<hbm>> -> memref<40x128xi32, #tpu.memory_space<hbm>>
      tpu.enqueue_dma source(%dma_start3A_38 : memref<40x128xi32, #tpu.memory_space<hbm>>) target(%arg6 : memref<40x128xi32, #tpu.memory_space<vmem>>) target_semaphore(%run_scoped3A : memref<!tpu.dma_semaphore, #tpu.memory_space<semaphore_mem>>)
      %dma_wait3A = arith.constant 0 : i32
      %dma_wait3A_39 = tpu.memref_slice %arg3[%multiple_of3A_20, %dma_wait3A] : memref<2560x128xi32, #tpu.memory_space<hbm>> -> memref<40x128xi32, #tpu.memory_space<hbm>>
      %dma_wait3A_40 = arith.constant 0 : i32
      %dma_wait3A_41 = tpu.memref_slice %arg3[%multiple_of3A_20, %dma_wait3A_40] : memref<2560x128xi32, #tpu.memory_space<hbm>> -> memref<40x128xi32, #tpu.memory_space<hbm>>
      tpu.wait_dma2 semaphore(%run_scoped3A : memref<!tpu.dma_semaphore, #tpu.memory_space<semaphore_mem>>) src(%dma_wait3A_41 : memref<40x128xi32, #tpu.memory_space<hbm>>) dst(%arg6 : memref<40x128xi32, #tpu.memory_space<vmem>>)
      tpu.yield
    }) : () -> ()
    "tpu.region"() ({
      %run_scoped3A = tpu.sem_alloc : memref<!tpu.dma_semaphore, #tpu.memory_space<semaphore_mem>>
      %dma_start3A_35 = arith.constant 0 : i32
      %dma_start3A_36 = tpu.memref_slice %arg4[%multiple_of3A_20, %dma_start3A_35] : memref<2560x128xi32, #tpu.memory_space<hbm>> -> memref<40x128xi32, #tpu.memory_space<hbm>>
      %dma_start3A_37 = arith.constant 0 : i32
      %dma_start3A_38 = tpu.memref_slice %arg4[%multiple_of3A_20, %dma_start3A_37] : memref<2560x128xi32, #tpu.memory_space<hbm>> -> memref<40x128xi32, #tpu.memory_space<hbm>>
      tpu.enqueue_dma source(%dma_start3A_38 : memref<40x128xi32, #tpu.memory_space<hbm>>) target(%arg7 : memref<40x128xi32, #tpu.memory_space<vmem>>) target_semaphore(%run_scoped3A : memref<!tpu.dma_semaphore, #tpu.memory_space<semaphore_mem>>)
      %dma_wait3A = arith.constant 0 : i32
      %dma_wait3A_39 = tpu.memref_slice %arg4[%multiple_of3A_20, %dma_wait3A] : memref<2560x128xi32, #tpu.memory_space<hbm>> -> memref<40x128xi32, #tpu.memory_space<hbm>>
      %dma_wait3A_40 = arith.constant 0 : i32
      %dma_wait3A_41 = tpu.memref_slice %arg4[%multiple_of3A_20, %dma_wait3A_40] : memref<2560x128xi32, #tpu.memory_space<hbm>> -> memref<40x128xi32, #tpu.memory_space<hbm>>
      tpu.wait_dma2 semaphore(%run_scoped3A : memref<!tpu.dma_semaphore, #tpu.memory_space<semaphore_mem>>) src(%dma_wait3A_41 : memref<40x128xi32, #tpu.memory_space<hbm>>) dst(%arg7 : memref<40x128xi32, #tpu.memory_space<vmem>>)
      tpu.yield
    }) : () -> ()
    %dma_start3A_21 = arith.constant 0 : i32
    %dma_start3A_22 = arith.constant 0 : i32
    %dma_start3A_23 = tpu.memref_slice %arg6[%dma_start3A_21, %dma_start3A_22] : memref<40x128xi32, #tpu.memory_space<vmem>> -> memref<1x128xi32, #tpu.memory_space<vmem>>
    %dma_start3A_24 = tpu.memref_squeeze %dma_start3A_23 : memref<1x128xi32, #tpu.memory_space<vmem>> -> memref<128xi32, #tpu.memory_space<vmem>>
    %dma_start3A_25 = arith.constant 0 : i32
    %dma_start3A_26 = arith.constant 0 : i32
    %dma_start3A_27 = tpu.memref_slice %arg2[%dma_start3A_25, %dma_start3A_26] : memref<10240x128xf32, #tpu.memory_space<hbm>> -> memref<10240x128xf32, #tpu.memory_space<hbm>>
    tpu.enqueue_indirect_dma source(%dma_start3A_27 : memref<10240x128xf32, #tpu.memory_space<hbm>>) target(%arg8 : memref<128x128xf32, #tpu.memory_space<vmem>>) offsets(%dma_start3A_24 : memref<128xi32, #tpu.memory_space<vmem>>) semaphore(%arg11 : memref<!tpu.dma_semaphore, #tpu.memory_space<semaphore_mem>>)
    %scan3A_28 = arith.constant 0 : i32
    %scan3A_29 = arith.constant 0 : i32
    %scan3A_30 = arith.constant 20 : i32
    %scan3A_31 = arith.addi %scan3A_29, %scan3A_30 : i32
    %scan3A_32 = arith.constant 1 : i32
    scf.for %scan3A_35 = %scan3A_29 to %scan3A_31 step %scan3A_32  : i32 {
      %mul3A_36 = arith.constant 2 : i32
      %mul3A_37 = arith.muli %mul3A_36, %scan3A_35 : i32
      %add3A_38 = arith.constant 1 : i32
      %add3A_39 = arith.addi %mul3A_37, %add3A_38 : i32
      %dma_start3A_40 = arith.constant 0 : i32
      %dma_start3A_41 = tpu.memref_slice %arg6[%add3A_39, %dma_start3A_40] : memref<40x128xi32, #tpu.memory_space<vmem>> -> memref<1x128xi32, #tpu.memory_space<vmem>>
      %dma_start3A_42 = tpu.memref_squeeze %dma_start3A_41 : memref<1x128xi32, #tpu.memory_space<vmem>> -> memref<128xi32, #tpu.memory_space<vmem>>
      %dma_start3A_43 = arith.constant 0 : i32
      %dma_start3A_44 = arith.constant 0 : i32
      %dma_start3A_45 = tpu.memref_slice %arg2[%dma_start3A_43, %dma_start3A_44] : memref<10240x128xf32, #tpu.memory_space<hbm>> -> memref<10240x128xf32, #tpu.memory_space<hbm>>
      tpu.enqueue_indirect_dma source(%dma_start3A_45 : memref<10240x128xf32, #tpu.memory_space<hbm>>) target(%arg9 : memref<128x128xf32, #tpu.memory_space<vmem>>) offsets(%dma_start3A_42 : memref<128xi32, #tpu.memory_space<vmem>>) semaphore(%arg12 : memref<!tpu.dma_semaphore, #tpu.memory_space<semaphore_mem>>)
      %dma_wait3A = arith.constant 0 : i32
      %dma_wait3A_46 = tpu.memref_slice %arg6[%mul3A_37, %dma_wait3A] : memref<40x128xi32, #tpu.memory_space<vmem>> -> memref<1x128xi32, #tpu.memory_space<vmem>>
      %dma_wait3A_47 = tpu.memref_squeeze %dma_wait3A_46 : memref<1x128xi32, #tpu.memory_space<vmem>> -> memref<128xi32, #tpu.memory_space<vmem>>
      %dma_wait3A_48 = arith.constant 0 : i32
      %dma_wait3A_49 = arith.constant 0 : i32
      %dma_wait3A_50 = tpu.memref_slice %arg2[%dma_wait3A_48, %dma_wait3A_49] : memref<10240x128xf32, #tpu.memory_space<hbm>> -> memref<10240x128xf32, #tpu.memory_space<hbm>>
      tpu.wait_indirect_dma semaphore(%arg11 : memref<!tpu.dma_semaphore, #tpu.memory_space<semaphore_mem>>) src(%dma_wait3A_50 : memref<10240x128xf32, #tpu.memory_space<hbm>>) dst(%arg8 : memref<128x128xf32, #tpu.memory_space<vmem>>)
      "tpu.region"() ({
        %run_scoped3A = tpu.sem_alloc : memref<!tpu.dma_semaphore, #tpu.memory_space<semaphore_mem>>
        %dma_start3A_63 = arith.constant 0 : i32
        %dma_start3A_64 = tpu.memref_slice %arg7[%mul3A_37, %dma_start3A_63] : memref<40x128xi32, #tpu.memory_space<vmem>> -> memref<1x128xi32, #tpu.memory_space<vmem>>
        %dma_start3A_65 = tpu.memref_squeeze %dma_start3A_64 : memref<1x128xi32, #tpu.memory_space<vmem>> -> memref<128xi32, #tpu.memory_space<vmem>>
        %dma_start3A_66 = arith.constant 0 : i32
        %dma_start3A_67 = arith.constant 0 : i32
        %dma_start3A_68 = tpu.memref_slice %arg10[%dma_start3A_66, %dma_start3A_67] : memref<10240x128xf32, #tpu.memory_space<vmem_shared>> -> memref<10240x128xf32, #tpu.memory_space<vmem_shared>>
        tpu.enqueue_indirect_dma source(%arg8 : memref<128x128xf32, #tpu.memory_space<vmem>>) target(%dma_start3A_68 : memref<10240x128xf32, #tpu.memory_space<vmem_shared>>) offsets(%dma_start3A_65 : memref<128xi32, #tpu.memory_space<vmem>>) semaphore(%run_scoped3A : memref<!tpu.dma_semaphore, #tpu.memory_space<semaphore_mem>>) {add = true}
        %dma_wait3A_69 = arith.constant 0 : i32
        %dma_wait3A_70 = tpu.memref_slice %arg7[%mul3A_37, %dma_wait3A_69] : memref<40x128xi32, #tpu.memory_space<vmem>> -> memref<1x128xi32, #tpu.memory_space<vmem>>
        %dma_wait3A_71 = tpu.memref_squeeze %dma_wait3A_70 : memref<1x128xi32, #tpu.memory_space<vmem>> -> memref<128xi32, #tpu.memory_space<vmem>>
        %dma_wait3A_72 = arith.constant 0 : i32
        %dma_wait3A_73 = arith.constant 0 : i32
        %dma_wait3A_74 = tpu.memref_slice %arg10[%dma_wait3A_72, %dma_wait3A_73] : memref<10240x128xf32, #tpu.memory_space<vmem_shared>> -> memref<10240x128xf32, #tpu.memory_space<vmem_shared>>
        tpu.wait_indirect_dma semaphore(%run_scoped3A : memref<!tpu.dma_semaphore, #tpu.memory_space<semaphore_mem>>) src(%arg8 : memref<128x128xf32, #tpu.memory_space<vmem>>) dst(%dma_wait3A_74 : memref<10240x128xf32, #tpu.memory_space<vmem_shared>>)
        tpu.yield
      }) : () -> ()
      %lt3A = arith.constant 19 : i32
      %lt3A_51 = arith.cmpi slt, %scan3A_35, %lt3A : i32
      %convert_element_type3A = arith.extui %lt3A_51 : i1 to i32
      %cond3A = arith.constant 0 : i32
      %cond3A_52 = arith.cmpi ne, %convert_element_type3A, %cond3A : i32
      scf.if %cond3A_52 {
        %add3A_63 = arith.constant 2 : i32
        %add3A_64 = arith.addi %mul3A_37, %add3A_63 : i32
        %dma_start3A_65 = arith.constant 0 : i32
        %dma_start3A_66 = tpu.memref_slice %arg6[%add3A_64, %dma_start3A_65] : memref<40x128xi32, #tpu.memory_space<vmem>> -> memref<1x128xi32, #tpu.memory_space<vmem>>
        %dma_start3A_67 = tpu.memref_squeeze %dma_start3A_66 : memref<1x128xi32, #tpu.memory_space<vmem>> -> memref<128xi32, #tpu.memory_space<vmem>>
        %dma_start3A_68 = arith.constant 0 : i32
        %dma_start3A_69 = arith.constant 0 : i32
        %dma_start3A_70 = tpu.memref_slice %arg2[%dma_start3A_68, %dma_start3A_69] : memref<10240x128xf32, #tpu.memory_space<hbm>> -> memref<10240x128xf32, #tpu.memory_space<hbm>>
        tpu.enqueue_indirect_dma source(%dma_start3A_70 : memref<10240x128xf32, #tpu.memory_space<hbm>>) target(%arg8 : memref<128x128xf32, #tpu.memory_space<vmem>>) offsets(%dma_start3A_67 : memref<128xi32, #tpu.memory_space<vmem>>) semaphore(%arg11 : memref<!tpu.dma_semaphore, #tpu.memory_space<semaphore_mem>>)
      } else {
      }
      %add3A_53 = arith.constant 1 : i32
      %add3A_54 = arith.addi %mul3A_37, %add3A_53 : i32
      %dma_wait3A_55 = arith.constant 0 : i32
      %dma_wait3A_56 = tpu.memref_slice %arg6[%add3A_54, %dma_wait3A_55] : memref<40x128xi32, #tpu.memory_space<vmem>> -> memref<1x128xi32, #tpu.memory_space<vmem>>
      %dma_wait3A_57 = tpu.memref_squeeze %dma_wait3A_56 : memref<1x128xi32, #tpu.memory_space<vmem>> -> memref<128xi32, #tpu.memory_space<vmem>>
      %dma_wait3A_58 = arith.constant 0 : i32
      %dma_wait3A_59 = arith.constant 0 : i32
      %dma_wait3A_60 = tpu.memref_slice %arg2[%dma_wait3A_58, %dma_wait3A_59] : memref<10240x128xf32, #tpu.memory_space<hbm>> -> memref<10240x128xf32, #tpu.memory_space<hbm>>
      tpu.wait_indirect_dma semaphore(%arg12 : memref<!tpu.dma_semaphore, #tpu.memory_space<semaphore_mem>>) src(%dma_wait3A_60 : memref<10240x128xf32, #tpu.memory_space<hbm>>) dst(%arg9 : memref<128x128xf32, #tpu.memory_space<vmem>>)
      %add3A_61 = arith.constant 1 : i32
      %add3A_62 = arith.addi %mul3A_37, %add3A_61 : i32
      "tpu.region"() ({
        %run_scoped3A = tpu.sem_alloc : memref<!tpu.dma_semaphore, #tpu.memory_space<semaphore_mem>>
        %dma_start3A_63 = arith.constant 0 : i32
        %dma_start3A_64 = tpu.memref_slice %arg7[%add3A_62, %dma_start3A_63] : memref<40x128xi32, #tpu.memory_space<vmem>> -> memref<1x128xi32, #tpu.memory_space<vmem>>
        %dma_start3A_65 = tpu.memref_squeeze %dma_start3A_64 : memref<1x128xi32, #tpu.memory_space<vmem>> -> memref<128xi32, #tpu.memory_space<vmem>>
        %dma_start3A_66 = arith.constant 0 : i32
        %dma_start3A_67 = arith.constant 0 : i32
        %dma_start3A_68 = tpu.memref_slice %arg10[%dma_start3A_66, %dma_start3A_67] : memref<10240x128xf32, #tpu.memory_space<vmem_shared>> -> memref<10240x128xf32, #tpu.memory_space<vmem_shared>>
        tpu.enqueue_indirect_dma source(%arg9 : memref<128x128xf32, #tpu.memory_space<vmem>>) target(%dma_start3A_68 : memref<10240x128xf32, #tpu.memory_space<vmem_shared>>) offsets(%dma_start3A_65 : memref<128xi32, #tpu.memory_space<vmem>>) semaphore(%run_scoped3A : memref<!tpu.dma_semaphore, #tpu.memory_space<semaphore_mem>>) {add = true}
        %dma_wait3A_69 = arith.constant 0 : i32
        %dma_wait3A_70 = tpu.memref_slice %arg7[%add3A_62, %dma_wait3A_69] : memref<40x128xi32, #tpu.memory_space<vmem>> -> memref<1x128xi32, #tpu.memory_space<vmem>>
        %dma_wait3A_71 = tpu.memref_squeeze %dma_wait3A_70 : memref<1x128xi32, #tpu.memory_space<vmem>> -> memref<128xi32, #tpu.memory_space<vmem>>
        %dma_wait3A_72 = arith.constant 0 : i32
        %dma_wait3A_73 = arith.constant 0 : i32
        %dma_wait3A_74 = tpu.memref_slice %arg10[%dma_wait3A_72, %dma_wait3A_73] : memref<10240x128xf32, #tpu.memory_space<vmem_shared>> -> memref<10240x128xf32, #tpu.memory_space<vmem_shared>>
        tpu.wait_indirect_dma semaphore(%run_scoped3A : memref<!tpu.dma_semaphore, #tpu.memory_space<semaphore_mem>>) src(%arg9 : memref<128x128xf32, #tpu.memory_space<vmem>>) dst(%dma_wait3A_74 : memref<10240x128xf32, #tpu.memory_space<vmem_shared>>)
        tpu.yield
      }) : () -> ()
    }
    %scan3A_33 = arith.constant 20 : i32
    %barrier3A_34 = arith.constant 0 : index
    tpu.barrier barrier_id(%barrier3A_34)
    "tpu.region"() ({
      %run_scoped3A = tpu.sem_alloc : memref<!tpu.dma_semaphore, #tpu.memory_space<semaphore_mem>>
      %dma_start3A_35 = arith.constant 0 : i32
      %dma_start3A_36 = tpu.memref_slice %arg5[%arg0, %mul3A_0, %dma_start3A_35] : memref<2x10240x128xf32, #tpu.memory_space<hbm>> -> memref<1x640x128xf32, #tpu.memory_space<hbm>>
      %dma_start3A_37 = tpu.memref_squeeze %dma_start3A_36 : memref<1x640x128xf32, #tpu.memory_space<hbm>> -> memref<640x128xf32, #tpu.memory_space<hbm>>
      %dma_start3A_38 = arith.constant 0 : i32
      %dma_start3A_39 = tpu.memref_slice %arg10[%mul3A_0, %dma_start3A_38] : memref<10240x128xf32, #tpu.memory_space<vmem_shared>> -> memref<640x128xf32, #tpu.memory_space<vmem_shared>>
      tpu.enqueue_dma source(%dma_start3A_39 : memref<640x128xf32, #tpu.memory_space<vmem_shared>>) target(%dma_start3A_37 : memref<640x128xf32, #tpu.memory_space<hbm>>) target_semaphore(%run_scoped3A : memref<!tpu.dma_semaphore, #tpu.memory_space<semaphore_mem>>)
      %dma_wait3A = arith.constant 0 : i32
      %dma_wait3A_40 = tpu.memref_slice %arg5[%arg0, %mul3A_0, %dma_wait3A] : memref<2x10240x128xf32, #tpu.memory_space<hbm>> -> memref<1x640x128xf32, #tpu.memory_space<hbm>>
      %dma_wait3A_41 = tpu.memref_squeeze %dma_wait3A_40 : memref<1x640x128xf32, #tpu.memory_space<hbm>> -> memref<640x128xf32, #tpu.memory_space<hbm>>
      %dma_wait3A_42 = arith.constant 0 : i32
      %dma_wait3A_43 = tpu.memref_slice %arg10[%mul3A_0, %dma_wait3A_42] : memref<10240x128xf32, #tpu.memory_space<vmem_shared>> -> memref<640x128xf32, #tpu.memory_space<vmem_shared>>
      tpu.wait_dma2 semaphore(%run_scoped3A : memref<!tpu.dma_semaphore, #tpu.memory_space<semaphore_mem>>) src(%dma_wait3A_43 : memref<640x128xf32, #tpu.memory_space<vmem_shared>>) dst(%dma_wait3A_41 : memref<640x128xf32, #tpu.memory_space<hbm>>)
      tpu.yield
    }) : () -> ()
    return
  }
}

#map = affine_map<(d0, d1) -> (0, 0)>
module attributes {stable_mosaic.version = 14 : i64} {
  func.func @_deg_body(%arg0: i32, %arg1: i32, %arg2: memref<32x10240xi32, #tpu.memory_space<hbm>>, %arg3: memref<32x10240xf32, #tpu.memory_space<hbm>>, %arg4: memref<10240xi32, #tpu.memory_space<vmem>>, %arg5: memref<10240xf32, #tpu.memory_space<vmem>>) attributes {dimension_semantics = [#tpu.dimension_semantics<core_parallel>, #tpu.dimension_semantics<subcore_parallel>], iteration_bounds = array<i64: 2, 16>, scalar_prefetch = 0 : i64, scratch_operands = 2 : i64, tpu.core_type = #tpu.core_type<sc_vector_subcore>, window_params = [{transform_indices = #map}, {transform_indices = #map}]} {
    %mul3A = arith.constant 2 : i32
    %mul3A_0 = arith.muli %arg1, %mul3A : i32
    %add3A = arith.addi %mul3A_0, %arg0 : i32
    %scan3A = arith.constant 0 : i32
    %scan3A_1 = arith.constant 0 : i32
    %scan3A_2 = arith.constant 640 : i32
    %scan3A_3 = arith.addi %scan3A_1, %scan3A_2 : i32
    %scan3A_4 = arith.constant 1 : i32
    scf.for %scan3A_13 = %scan3A_1 to %scan3A_3 step %scan3A_4  : i32 {
      %broadcast_in_dim3A_14 = arith.constant 0.000000e+00 : f32
      %broadcast_in_dim3A_15 = vector.broadcast %broadcast_in_dim3A_14 : f32 to vector<16xf32>
      %mul3A_16 = arith.constant 16 : i32
      %mul3A_17 = arith.muli %scan3A_13, %mul3A_16 : i32
      %swap3A = arith.index_cast %mul3A_17 : i32 to index
      %swap3A_18 = tpu.vector_load %arg5[%swap3A] {strides = array<i32>} : memref<10240xf32, #tpu.memory_space<vmem>>, vector<16xf32>,
      tpu.vector_store %arg5[%swap3A], %broadcast_in_dim3A_15 {strides = array<i32>} : memref<10240xf32, #tpu.memory_space<vmem>>, vector<16xf32>,
    }
    %scan3A_5 = arith.constant 640 : i32
    "tpu.region"() ({
      %run_scoped3A = tpu.sem_alloc : memref<!tpu.dma_semaphore, #tpu.memory_space<semaphore_mem>>
      %dma_start3A = arith.constant 0 : i32
      %dma_start3A_13 = tpu.memref_slice %arg2[%add3A, %dma_start3A] : memref<32x10240xi32, #tpu.memory_space<hbm>> -> memref<1x10240xi32, #tpu.memory_space<hbm>>
      %dma_start3A_14 = tpu.memref_squeeze %dma_start3A_13 : memref<1x10240xi32, #tpu.memory_space<hbm>> -> memref<10240xi32, #tpu.memory_space<hbm>>
      %dma_start3A_15 = arith.constant 0 : i32
      %dma_start3A_16 = tpu.memref_slice %arg2[%add3A, %dma_start3A_15] : memref<32x10240xi32, #tpu.memory_space<hbm>> -> memref<1x10240xi32, #tpu.memory_space<hbm>>
      %dma_start3A_17 = tpu.memref_squeeze %dma_start3A_16 : memref<1x10240xi32, #tpu.memory_space<hbm>> -> memref<10240xi32, #tpu.memory_space<hbm>>
      tpu.enqueue_dma source(%dma_start3A_17 : memref<10240xi32, #tpu.memory_space<hbm>>) target(%arg4 : memref<10240xi32, #tpu.memory_space<vmem>>) target_semaphore(%run_scoped3A : memref<!tpu.dma_semaphore, #tpu.memory_space<semaphore_mem>>)
      %dma_wait3A = arith.constant 0 : i32
      %dma_wait3A_18 = tpu.memref_slice %arg2[%add3A, %dma_wait3A] : memref<32x10240xi32, #tpu.memory_space<hbm>> -> memref<1x10240xi32, #tpu.memory_space<hbm>>
      %dma_wait3A_19 = tpu.memref_squeeze %dma_wait3A_18 : memref<1x10240xi32, #tpu.memory_space<hbm>> -> memref<10240xi32, #tpu.memory_space<hbm>>
      %dma_wait3A_20 = arith.constant 0 : i32
      %dma_wait3A_21 = tpu.memref_slice %arg2[%add3A, %dma_wait3A_20] : memref<32x10240xi32, #tpu.memory_space<hbm>> -> memref<1x10240xi32, #tpu.memory_space<hbm>>
      %dma_wait3A_22 = tpu.memref_squeeze %dma_wait3A_21 : memref<1x10240xi32, #tpu.memory_space<hbm>> -> memref<10240xi32, #tpu.memory_space<hbm>>
      tpu.wait_dma2 semaphore(%run_scoped3A : memref<!tpu.dma_semaphore, #tpu.memory_space<semaphore_mem>>) src(%dma_wait3A_22 : memref<10240xi32, #tpu.memory_space<hbm>>) dst(%arg4 : memref<10240xi32, #tpu.memory_space<vmem>>)
      tpu.yield
    }) : () -> ()
    %broadcast_in_dim3A = arith.constant 1.000000e+00 : f32
    %broadcast_in_dim3A_6 = vector.broadcast %broadcast_in_dim3A : f32 to vector<16xf32>
    %scan3A_7 = arith.constant 0 : i32
    %scan3A_8 = arith.constant 0 : i32
    %scan3A_9 = arith.constant 640 : i32
    %scan3A_10 = arith.addi %scan3A_8, %scan3A_9 : i32
    %scan3A_11 = arith.constant 1 : i32
    scf.for %scan3A_13 = %scan3A_8 to %scan3A_10 step %scan3A_11  : i32 {
      %mul3A_14 = arith.constant 16 : i32
      %mul3A_15 = arith.muli %scan3A_13, %mul3A_14 : i32
      %get3A = arith.index_cast %mul3A_15 : i32 to index
      %get3A_16 = tpu.vector_load %arg4[%get3A] {strides = array<i32>} : memref<10240xi32, #tpu.memory_space<vmem>>, vector<16xi32>,
      tpu.vector_store_idx %arg5[%get3A_16], %broadcast_in_dim3A_6 {add = true} : memref<10240xf32, #tpu.memory_space<vmem>>[vector<16xi32>], vector<16xf32>,
    }
    %scan3A_12 = arith.constant 640 : i32
    "tpu.region"() ({
      %run_scoped3A = tpu.sem_alloc : memref<!tpu.dma_semaphore, #tpu.memory_space<semaphore_mem>>
      %dma_start3A = arith.constant 0 : i32
      %dma_start3A_13 = tpu.memref_slice %arg3[%add3A, %dma_start3A] : memref<32x10240xf32, #tpu.memory_space<hbm>> -> memref<1x10240xf32, #tpu.memory_space<hbm>>
      %dma_start3A_14 = tpu.memref_squeeze %dma_start3A_13 : memref<1x10240xf32, #tpu.memory_space<hbm>> -> memref<10240xf32, #tpu.memory_space<hbm>>
      %dma_start3A_15 = arith.constant 0 : i32
      %dma_start3A_16 = tpu.memref_slice %arg3[%add3A, %dma_start3A_15] : memref<32x10240xf32, #tpu.memory_space<hbm>> -> memref<1x10240xf32, #tpu.memory_space<hbm>>
      %dma_start3A_17 = tpu.memref_squeeze %dma_start3A_16 : memref<1x10240xf32, #tpu.memory_space<hbm>> -> memref<10240xf32, #tpu.memory_space<hbm>>
      tpu.enqueue_dma source(%arg5 : memref<10240xf32, #tpu.memory_space<vmem>>) target(%dma_start3A_17 : memref<10240xf32, #tpu.memory_space<hbm>>) target_semaphore(%run_scoped3A : memref<!tpu.dma_semaphore, #tpu.memory_space<semaphore_mem>>)
      %dma_wait3A = arith.constant 0 : i32
      %dma_wait3A_18 = tpu.memref_slice %arg3[%add3A, %dma_wait3A] : memref<32x10240xf32, #tpu.memory_space<hbm>> -> memref<1x10240xf32, #tpu.memory_space<hbm>>
      %dma_wait3A_19 = tpu.memref_squeeze %dma_wait3A_18 : memref<1x10240xf32, #tpu.memory_space<hbm>> -> memref<10240xf32, #tpu.memory_space<hbm>>
      %dma_wait3A_20 = arith.constant 0 : i32
      %dma_wait3A_21 = tpu.memref_slice %arg3[%add3A, %dma_wait3A_20] : memref<32x10240xf32, #tpu.memory_space<hbm>> -> memref<1x10240xf32, #tpu.memory_space<hbm>>
      %dma_wait3A_22 = tpu.memref_squeeze %dma_wait3A_21 : memref<1x10240xf32, #tpu.memory_space<hbm>> -> memref<10240xf32, #tpu.memory_space<hbm>>
      tpu.wait_dma2 semaphore(%run_scoped3A : memref<!tpu.dma_semaphore, #tpu.memory_space<semaphore_mem>>) src(%arg5 : memref<10240xf32, #tpu.memory_space<vmem>>) dst(%dma_wait3A_22 : memref<10240xf32, #tpu.memory_space<hbm>>)
      tpu.yield
    }) : () -> ()
    return
  }
}

#map = affine_map<(d0, d1) -> (0, 0)>
#map1 = affine_map<(d0, d1) -> (0, 0, 0)>
module attributes {stable_mosaic.version = 14 : i64} {
  func.func @_scatter_body(%arg0: i32, %arg1: i32, %arg2: memref<10240x128xf32, #tpu.memory_space<hbm>>, %arg3: memref<2560x128xi32, #tpu.memory_space<hbm>>, %arg4: memref<2560x128xi32, #tpu.memory_space<hbm>>, %arg5: memref<2x10240x128xf32, #tpu.memory_space<hbm>>, %arg6: memref<40x128xi32, #tpu.memory_space<vmem>>, %arg7: memref<40x128xi32, #tpu.memory_space<vmem>>, %arg8: memref<128x128xf32, #tpu.memory_space<vmem>>, %arg9: memref<128x128xf32, #tpu.memory_space<vmem>>, %arg10: memref<10240x128xf32, #tpu.memory_space<vmem_shared>>, %arg11: memref<!tpu.dma_semaphore, #tpu.memory_space<semaphore_mem>>, %arg12: memref<!tpu.dma_semaphore, #tpu.memory_space<semaphore_mem>>) attributes {dimension_semantics = [#tpu.dimension_semantics<core_parallel>, #tpu.dimension_semantics<subcore_parallel>], iteration_bounds = array<i64: 2, 16>, scalar_prefetch = 0 : i64, scratch_operands = 7 : i64, tpu.core_type = #tpu.core_type<sc_vector_subcore>, window_params = [{transform_indices = #map}, {transform_indices = #map}, {transform_indices = #map}, {transform_indices = #map1}]} {
    %mul3A = arith.constant 640 : i32
    %mul3A_0 = arith.muli %arg1, %mul3A : i32
    "tpu.region"() ({
      %run_scoped3A = tpu.sem_alloc : memref<!tpu.dma_semaphore, #tpu.memory_space<semaphore_mem>>
      %dma_start3A_35 = arith.constant 0 : i32
      %dma_start3A_36 = tpu.memref_slice %arg10[%mul3A_0, %dma_start3A_35] : memref<10240x128xf32, #tpu.memory_space<vmem_shared>> -> memref<640x128xf32, #tpu.memory_space<vmem_shared>>
      %dma_start3A_37 = arith.constant 0 : i32
      %dma_start3A_38 = tpu.memref_slice %arg2[%mul3A_0, %dma_start3A_37] : memref<10240x128xf32, #tpu.memory_space<hbm>> -> memref<640x128xf32, #tpu.memory_space<hbm>>
      tpu.enqueue_dma source(%dma_start3A_38 : memref<640x128xf32, #tpu.memory_space<hbm>>) target(%dma_start3A_36 : memref<640x128xf32, #tpu.memory_space<vmem_shared>>) target_semaphore(%run_scoped3A : memref<!tpu.dma_semaphore, #tpu.memory_space<semaphore_mem>>)
      %dma_wait3A = arith.constant 0 : i32
      %dma_wait3A_39 = tpu.memref_slice %arg10[%mul3A_0, %dma_wait3A] : memref<10240x128xf32, #tpu.memory_space<vmem_shared>> -> memref<640x128xf32, #tpu.memory_space<vmem_shared>>
      %dma_wait3A_40 = arith.constant 0 : i32
      %dma_wait3A_41 = tpu.memref_slice %arg2[%mul3A_0, %dma_wait3A_40] : memref<10240x128xf32, #tpu.memory_space<hbm>> -> memref<640x128xf32, #tpu.memory_space<hbm>>
      tpu.wait_dma2 semaphore(%run_scoped3A : memref<!tpu.dma_semaphore, #tpu.memory_space<semaphore_mem>>) src(%dma_wait3A_41 : memref<640x128xf32, #tpu.memory_space<hbm>>) dst(%dma_wait3A_39 : memref<640x128xf32, #tpu.memory_space<vmem_shared>>)
      tpu.yield
    }) : () -> ()
    %barrier3A = arith.constant 0 : index
    tpu.barrier barrier_id(%barrier3A)
    %mul3A_1 = arith.constant 16 : i32
    %mul3A_2 = arith.muli %arg0, %mul3A_1 : i32
    %add3A = arith.addi %mul3A_2, %arg1 : i32
    %mul3A_3 = arith.constant 80 : i32
    %mul3A_4 = arith.muli %add3A, %mul3A_3 : i32
    %add3A_5 = arith.constant 0 : i32
    %add3A_6 = arith.addi %mul3A_4, %add3A_5 : i32
    %multiple_of3A = tpu.assume_multiple %add3A_6, 8 : i32
    "tpu.region"() ({
      %run_scoped3A = tpu.sem_alloc : memref<!tpu.dma_semaphore, #tpu.memory_space<semaphore_mem>>
      %dma_start3A_35 = arith.constant 0 : i32
      %dma_start3A_36 = tpu.memref_slice %arg3[%multiple_of3A, %dma_start3A_35] : memref<2560x128xi32, #tpu.memory_space<hbm>> -> memref<40x128xi32, #tpu.memory_space<hbm>>
      %dma_start3A_37 = arith.constant 0 : i32
      %dma_start3A_38 = tpu.memref_slice %arg3[%multiple_of3A, %dma_start3A_37] : memref<2560x128xi32, #tpu.memory_space<hbm>> -> memref<40x128xi32, #tpu.memory_space<hbm>>
      tpu.enqueue_dma source(%dma_start3A_38 : memref<40x128xi32, #tpu.memory_space<hbm>>) target(%arg6 : memref<40x128xi32, #tpu.memory_space<vmem>>) target_semaphore(%run_scoped3A : memref<!tpu.dma_semaphore, #tpu.memory_space<semaphore_mem>>)
      %dma_wait3A = arith.constant 0 : i32
      %dma_wait3A_39 = tpu.memref_slice %arg3[%multiple_of3A, %dma_wait3A] : memref<2560x128xi32, #tpu.memory_space<hbm>> -> memref<40x128xi32, #tpu.memory_space<hbm>>
      %dma_wait3A_40 = arith.constant 0 : i32
      %dma_wait3A_41 = tpu.memref_slice %arg3[%multiple_of3A, %dma_wait3A_40] : memref<2560x128xi32, #tpu.memory_space<hbm>> -> memref<40x128xi32, #tpu.memory_space<hbm>>
      tpu.wait_dma2 semaphore(%run_scoped3A : memref<!tpu.dma_semaphore, #tpu.memory_space<semaphore_mem>>) src(%dma_wait3A_41 : memref<40x128xi32, #tpu.memory_space<hbm>>) dst(%arg6 : memref<40x128xi32, #tpu.memory_space<vmem>>)
      tpu.yield
    }) : () -> ()
    "tpu.region"() ({
      %run_scoped3A = tpu.sem_alloc : memref<!tpu.dma_semaphore, #tpu.memory_space<semaphore_mem>>
      %dma_start3A_35 = arith.constant 0 : i32
      %dma_start3A_36 = tpu.memref_slice %arg4[%multiple_of3A, %dma_start3A_35] : memref<2560x128xi32, #tpu.memory_space<hbm>> -> memref<40x128xi32, #tpu.memory_space<hbm>>
      %dma_start3A_37 = arith.constant 0 : i32
      %dma_start3A_38 = tpu.memref_slice %arg4[%multiple_of3A, %dma_start3A_37] : memref<2560x128xi32, #tpu.memory_space<hbm>> -> memref<40x128xi32, #tpu.memory_space<hbm>>
      tpu.enqueue_dma source(%dma_start3A_38 : memref<40x128xi32, #tpu.memory_space<hbm>>) target(%arg7 : memref<40x128xi32, #tpu.memory_space<vmem>>) target_semaphore(%run_scoped3A : memref<!tpu.dma_semaphore, #tpu.memory_space<semaphore_mem>>)
      %dma_wait3A = arith.constant 0 : i32
      %dma_wait3A_39 = tpu.memref_slice %arg4[%multiple_of3A, %dma_wait3A] : memref<2560x128xi32, #tpu.memory_space<hbm>> -> memref<40x128xi32, #tpu.memory_space<hbm>>
      %dma_wait3A_40 = arith.constant 0 : i32
      %dma_wait3A_41 = tpu.memref_slice %arg4[%multiple_of3A, %dma_wait3A_40] : memref<2560x128xi32, #tpu.memory_space<hbm>> -> memref<40x128xi32, #tpu.memory_space<hbm>>
      tpu.wait_dma2 semaphore(%run_scoped3A : memref<!tpu.dma_semaphore, #tpu.memory_space<semaphore_mem>>) src(%dma_wait3A_41 : memref<40x128xi32, #tpu.memory_space<hbm>>) dst(%arg7 : memref<40x128xi32, #tpu.memory_space<vmem>>)
      tpu.yield
    }) : () -> ()
    %dma_start3A = arith.constant 0 : i32
    %dma_start3A_7 = arith.constant 0 : i32
    %dma_start3A_8 = tpu.memref_slice %arg6[%dma_start3A, %dma_start3A_7] : memref<40x128xi32, #tpu.memory_space<vmem>> -> memref<1x128xi32, #tpu.memory_space<vmem>>
    %dma_start3A_9 = tpu.memref_squeeze %dma_start3A_8 : memref<1x128xi32, #tpu.memory_space<vmem>> -> memref<128xi32, #tpu.memory_space<vmem>>
    %dma_start3A_10 = arith.constant 0 : i32
    %dma_start3A_11 = arith.constant 0 : i32
    %dma_start3A_12 = tpu.memref_slice %arg2[%dma_start3A_10, %dma_start3A_11] : memref<10240x128xf32, #tpu.memory_space<hbm>> -> memref<10240x128xf32, #tpu.memory_space<hbm>>
    tpu.enqueue_indirect_dma source(%dma_start3A_12 : memref<10240x128xf32, #tpu.memory_space<hbm>>) target(%arg8 : memref<128x128xf32, #tpu.memory_space<vmem>>) offsets(%dma_start3A_9 : memref<128xi32, #tpu.memory_space<vmem>>) semaphore(%arg11 : memref<!tpu.dma_semaphore, #tpu.memory_space<semaphore_mem>>)
    %scan3A = arith.constant 0 : i32
    %scan3A_13 = arith.constant 0 : i32
    %scan3A_14 = arith.constant 20 : i32
    %scan3A_15 = arith.addi %scan3A_13, %scan3A_14 : i32
    %scan3A_16 = arith.constant 1 : i32
    scf.for %scan3A_35 = %scan3A_13 to %scan3A_15 step %scan3A_16  : i32 {
      %mul3A_36 = arith.constant 2 : i32
      %mul3A_37 = arith.muli %mul3A_36, %scan3A_35 : i32
      %add3A_38 = arith.constant 1 : i32
      %add3A_39 = arith.addi %mul3A_37, %add3A_38 : i32
      %dma_start3A_40 = arith.constant 0 : i32
      %dma_start3A_41 = tpu.memref_slice %arg6[%add3A_39, %dma_start3A_40] : memref<40x128xi32, #tpu.memory_space<vmem>> -> memref<1x128xi32, #tpu.memory_space<vmem>>
      %dma_start3A_42 = tpu.memref_squeeze %dma_start3A_41 : memref<1x128xi32, #tpu.memory_space<vmem>> -> memref<128xi32, #tpu.memory_space<vmem>>
      %dma_start3A_43 = arith.constant 0 : i32
      %dma_start3A_44 = arith.constant 0 : i32
      %dma_start3A_45 = tpu.memref_slice %arg2[%dma_start3A_43, %dma_start3A_44] : memref<10240x128xf32, #tpu.memory_space<hbm>> -> memref<10240x128xf32, #tpu.memory_space<hbm>>
      tpu.enqueue_indirect_dma source(%dma_start3A_45 : memref<10240x128xf32, #tpu.memory_space<hbm>>) target(%arg9 : memref<128x128xf32, #tpu.memory_space<vmem>>) offsets(%dma_start3A_42 : memref<128xi32, #tpu.memory_space<vmem>>) semaphore(%arg12 : memref<!tpu.dma_semaphore, #tpu.memory_space<semaphore_mem>>)
      %dma_wait3A = arith.constant 0 : i32
      %dma_wait3A_46 = tpu.memref_slice %arg6[%mul3A_37, %dma_wait3A] : memref<40x128xi32, #tpu.memory_space<vmem>> -> memref<1x128xi32, #tpu.memory_space<vmem>>
      %dma_wait3A_47 = tpu.memref_squeeze %dma_wait3A_46 : memref<1x128xi32, #tpu.memory_space<vmem>> -> memref<128xi32, #tpu.memory_space<vmem>>
      %dma_wait3A_48 = arith.constant 0 : i32
      %dma_wait3A_49 = arith.constant 0 : i32
      %dma_wait3A_50 = tpu.memref_slice %arg2[%dma_wait3A_48, %dma_wait3A_49] : memref<10240x128xf32, #tpu.memory_space<hbm>> -> memref<10240x128xf32, #tpu.memory_space<hbm>>
      tpu.wait_indirect_dma semaphore(%arg11 : memref<!tpu.dma_semaphore, #tpu.memory_space<semaphore_mem>>) src(%dma_wait3A_50 : memref<10240x128xf32, #tpu.memory_space<hbm>>) dst(%arg8 : memref<128x128xf32, #tpu.memory_space<vmem>>)
      "tpu.region"() ({
        %run_scoped3A = tpu.sem_alloc : memref<!tpu.dma_semaphore, #tpu.memory_space<semaphore_mem>>
        %dma_start3A_63 = arith.constant 0 : i32
        %dma_start3A_64 = tpu.memref_slice %arg7[%mul3A_37, %dma_start3A_63] : memref<40x128xi32, #tpu.memory_space<vmem>> -> memref<1x128xi32, #tpu.memory_space<vmem>>
        %dma_start3A_65 = tpu.memref_squeeze %dma_start3A_64 : memref<1x128xi32, #tpu.memory_space<vmem>> -> memref<128xi32, #tpu.memory_space<vmem>>
        %dma_start3A_66 = arith.constant 0 : i32
        %dma_start3A_67 = arith.constant 0 : i32
        %dma_start3A_68 = tpu.memref_slice %arg10[%dma_start3A_66, %dma_start3A_67] : memref<10240x128xf32, #tpu.memory_space<vmem_shared>> -> memref<10240x128xf32, #tpu.memory_space<vmem_shared>>
        tpu.enqueue_indirect_dma source(%arg8 : memref<128x128xf32, #tpu.memory_space<vmem>>) target(%dma_start3A_68 : memref<10240x128xf32, #tpu.memory_space<vmem_shared>>) offsets(%dma_start3A_65 : memref<128xi32, #tpu.memory_space<vmem>>) semaphore(%run_scoped3A : memref<!tpu.dma_semaphore, #tpu.memory_space<semaphore_mem>>) {add = true}
        %dma_wait3A_69 = arith.constant 0 : i32
        %dma_wait3A_70 = tpu.memref_slice %arg7[%mul3A_37, %dma_wait3A_69] : memref<40x128xi32, #tpu.memory_space<vmem>> -> memref<1x128xi32, #tpu.memory_space<vmem>>
        %dma_wait3A_71 = tpu.memref_squeeze %dma_wait3A_70 : memref<1x128xi32, #tpu.memory_space<vmem>> -> memref<128xi32, #tpu.memory_space<vmem>>
        %dma_wait3A_72 = arith.constant 0 : i32
        %dma_wait3A_73 = arith.constant 0 : i32
        %dma_wait3A_74 = tpu.memref_slice %arg10[%dma_wait3A_72, %dma_wait3A_73] : memref<10240x128xf32, #tpu.memory_space<vmem_shared>> -> memref<10240x128xf32, #tpu.memory_space<vmem_shared>>
        tpu.wait_indirect_dma semaphore(%run_scoped3A : memref<!tpu.dma_semaphore, #tpu.memory_space<semaphore_mem>>) src(%arg8 : memref<128x128xf32, #tpu.memory_space<vmem>>) dst(%dma_wait3A_74 : memref<10240x128xf32, #tpu.memory_space<vmem_shared>>)
        tpu.yield
      }) : () -> ()
      %lt3A = arith.constant 19 : i32
      %lt3A_51 = arith.cmpi slt, %scan3A_35, %lt3A : i32
      %convert_element_type3A = arith.extui %lt3A_51 : i1 to i32
      %cond3A = arith.constant 0 : i32
      %cond3A_52 = arith.cmpi ne, %convert_element_type3A, %cond3A : i32
      scf.if %cond3A_52 {
        %add3A_63 = arith.constant 2 : i32
        %add3A_64 = arith.addi %mul3A_37, %add3A_63 : i32
        %dma_start3A_65 = arith.constant 0 : i32
        %dma_start3A_66 = tpu.memref_slice %arg6[%add3A_64, %dma_start3A_65] : memref<40x128xi32, #tpu.memory_space<vmem>> -> memref<1x128xi32, #tpu.memory_space<vmem>>
        %dma_start3A_67 = tpu.memref_squeeze %dma_start3A_66 : memref<1x128xi32, #tpu.memory_space<vmem>> -> memref<128xi32, #tpu.memory_space<vmem>>
        %dma_start3A_68 = arith.constant 0 : i32
        %dma_start3A_69 = arith.constant 0 : i32
        %dma_start3A_70 = tpu.memref_slice %arg2[%dma_start3A_68, %dma_start3A_69] : memref<10240x128xf32, #tpu.memory_space<hbm>> -> memref<10240x128xf32, #tpu.memory_space<hbm>>
        tpu.enqueue_indirect_dma source(%dma_start3A_70 : memref<10240x128xf32, #tpu.memory_space<hbm>>) target(%arg8 : memref<128x128xf32, #tpu.memory_space<vmem>>) offsets(%dma_start3A_67 : memref<128xi32, #tpu.memory_space<vmem>>) semaphore(%arg11 : memref<!tpu.dma_semaphore, #tpu.memory_space<semaphore_mem>>)
      } else {
      }
      %add3A_53 = arith.constant 1 : i32
      %add3A_54 = arith.addi %mul3A_37, %add3A_53 : i32
      %dma_wait3A_55 = arith.constant 0 : i32
      %dma_wait3A_56 = tpu.memref_slice %arg6[%add3A_54, %dma_wait3A_55] : memref<40x128xi32, #tpu.memory_space<vmem>> -> memref<1x128xi32, #tpu.memory_space<vmem>>
      %dma_wait3A_57 = tpu.memref_squeeze %dma_wait3A_56 : memref<1x128xi32, #tpu.memory_space<vmem>> -> memref<128xi32, #tpu.memory_space<vmem>>
      %dma_wait3A_58 = arith.constant 0 : i32
      %dma_wait3A_59 = arith.constant 0 : i32
      %dma_wait3A_60 = tpu.memref_slice %arg2[%dma_wait3A_58, %dma_wait3A_59] : memref<10240x128xf32, #tpu.memory_space<hbm>> -> memref<10240x128xf32, #tpu.memory_space<hbm>>
      tpu.wait_indirect_dma semaphore(%arg12 : memref<!tpu.dma_semaphore, #tpu.memory_space<semaphore_mem>>) src(%dma_wait3A_60 : memref<10240x128xf32, #tpu.memory_space<hbm>>) dst(%arg9 : memref<128x128xf32, #tpu.memory_space<vmem>>)
      %add3A_61 = arith.constant 1 : i32
      %add3A_62 = arith.addi %mul3A_37, %add3A_61 : i32
      "tpu.region"() ({
        %run_scoped3A = tpu.sem_alloc : memref<!tpu.dma_semaphore, #tpu.memory_space<semaphore_mem>>
        %dma_start3A_63 = arith.constant 0 : i32
        %dma_start3A_64 = tpu.memref_slice %arg7[%add3A_62, %dma_start3A_63] : memref<40x128xi32, #tpu.memory_space<vmem>> -> memref<1x128xi32, #tpu.memory_space<vmem>>
        %dma_start3A_65 = tpu.memref_squeeze %dma_start3A_64 : memref<1x128xi32, #tpu.memory_space<vmem>> -> memref<128xi32, #tpu.memory_space<vmem>>
        %dma_start3A_66 = arith.constant 0 : i32
        %dma_start3A_67 = arith.constant 0 : i32
        %dma_start3A_68 = tpu.memref_slice %arg10[%dma_start3A_66, %dma_start3A_67] : memref<10240x128xf32, #tpu.memory_space<vmem_shared>> -> memref<10240x128xf32, #tpu.memory_space<vmem_shared>>
        tpu.enqueue_indirect_dma source(%arg9 : memref<128x128xf32, #tpu.memory_space<vmem>>) target(%dma_start3A_68 : memref<10240x128xf32, #tpu.memory_space<vmem_shared>>) offsets(%dma_start3A_65 : memref<128xi32, #tpu.memory_space<vmem>>) semaphore(%run_scoped3A : memref<!tpu.dma_semaphore, #tpu.memory_space<semaphore_mem>>) {add = true}
        %dma_wait3A_69 = arith.constant 0 : i32
        %dma_wait3A_70 = tpu.memref_slice %arg7[%add3A_62, %dma_wait3A_69] : memref<40x128xi32, #tpu.memory_space<vmem>> -> memref<1x128xi32, #tpu.memory_space<vmem>>
        %dma_wait3A_71 = tpu.memref_squeeze %dma_wait3A_70 : memref<1x128xi32, #tpu.memory_space<vmem>> -> memref<128xi32, #tpu.memory_space<vmem>>
        %dma_wait3A_72 = arith.constant 0 : i32
        %dma_wait3A_73 = arith.constant 0 : i32
        %dma_wait3A_74 = tpu.memref_slice %arg10[%dma_wait3A_72, %dma_wait3A_73] : memref<10240x128xf32, #tpu.memory_space<vmem_shared>> -> memref<10240x128xf32, #tpu.memory_space<vmem_shared>>
        tpu.wait_indirect_dma semaphore(%run_scoped3A : memref<!tpu.dma_semaphore, #tpu.memory_space<semaphore_mem>>) src(%arg9 : memref<128x128xf32, #tpu.memory_space<vmem>>) dst(%dma_wait3A_74 : memref<10240x128xf32, #tpu.memory_space<vmem_shared>>)
        tpu.yield
      }) : () -> ()
    }
    %scan3A_17 = arith.constant 20 : i32
    %add3A_18 = arith.constant 40 : i32
    %add3A_19 = arith.addi %mul3A_4, %add3A_18 : i32
    %multiple_of3A_20 = tpu.assume_multiple %add3A_19, 8 : i32
    "tpu.region"() ({
      %run_scoped3A = tpu.sem_alloc : memref<!tpu.dma_semaphore, #tpu.memory_space<semaphore_mem>>
      %dma_start3A_35 = arith.constant 0 : i32
      %dma_start3A_36 = tpu.memref_slice %arg3[%multiple_of3A_20, %dma_start3A_35] : memref<2560x128xi32, #tpu.memory_space<hbm>> -> memref<40x128xi32, #tpu.memory_space<hbm>>
      %dma_start3A_37 = arith.constant 0 : i32
      %dma_start3A_38 = tpu.memref_slice %arg3[%multiple_of3A_20, %dma_start3A_37] : memref<2560x128xi32, #tpu.memory_space<hbm>> -> memref<40x128xi32, #tpu.memory_space<hbm>>
      tpu.enqueue_dma source(%dma_start3A_38 : memref<40x128xi32, #tpu.memory_space<hbm>>) target(%arg6 : memref<40x128xi32, #tpu.memory_space<vmem>>) target_semaphore(%run_scoped3A : memref<!tpu.dma_semaphore, #tpu.memory_space<semaphore_mem>>)
      %dma_wait3A = arith.constant 0 : i32
      %dma_wait3A_39 = tpu.memref_slice %arg3[%multiple_of3A_20, %dma_wait3A] : memref<2560x128xi32, #tpu.memory_space<hbm>> -> memref<40x128xi32, #tpu.memory_space<hbm>>
      %dma_wait3A_40 = arith.constant 0 : i32
      %dma_wait3A_41 = tpu.memref_slice %arg3[%multiple_of3A_20, %dma_wait3A_40] : memref<2560x128xi32, #tpu.memory_space<hbm>> -> memref<40x128xi32, #tpu.memory_space<hbm>>
      tpu.wait_dma2 semaphore(%run_scoped3A : memref<!tpu.dma_semaphore, #tpu.memory_space<semaphore_mem>>) src(%dma_wait3A_41 : memref<40x128xi32, #tpu.memory_space<hbm>>) dst(%arg6 : memref<40x128xi32, #tpu.memory_space<vmem>>)
      tpu.yield
    }) : () -> ()
    "tpu.region"() ({
      %run_scoped3A = tpu.sem_alloc : memref<!tpu.dma_semaphore, #tpu.memory_space<semaphore_mem>>
      %dma_start3A_35 = arith.constant 0 : i32
      %dma_start3A_36 = tpu.memref_slice %arg4[%multiple_of3A_20, %dma_start3A_35] : memref<2560x128xi32, #tpu.memory_space<hbm>> -> memref<40x128xi32, #tpu.memory_space<hbm>>
      %dma_start3A_37 = arith.constant 0 : i32
      %dma_start3A_38 = tpu.memref_slice %arg4[%multiple_of3A_20, %dma_start3A_37] : memref<2560x128xi32, #tpu.memory_space<hbm>> -> memref<40x128xi32, #tpu.memory_space<hbm>>
      tpu.enqueue_dma source(%dma_start3A_38 : memref<40x128xi32, #tpu.memory_space<hbm>>) target(%arg7 : memref<40x128xi32, #tpu.memory_space<vmem>>) target_semaphore(%run_scoped3A : memref<!tpu.dma_semaphore, #tpu.memory_space<semaphore_mem>>)
      %dma_wait3A = arith.constant 0 : i32
      %dma_wait3A_39 = tpu.memref_slice %arg4[%multiple_of3A_20, %dma_wait3A] : memref<2560x128xi32, #tpu.memory_space<hbm>> -> memref<40x128xi32, #tpu.memory_space<hbm>>
      %dma_wait3A_40 = arith.constant 0 : i32
      %dma_wait3A_41 = tpu.memref_slice %arg4[%multiple_of3A_20, %dma_wait3A_40] : memref<2560x128xi32, #tpu.memory_space<hbm>> -> memref<40x128xi32, #tpu.memory_space<hbm>>
      tpu.wait_dma2 semaphore(%run_scoped3A : memref<!tpu.dma_semaphore, #tpu.memory_space<semaphore_mem>>) src(%dma_wait3A_41 : memref<40x128xi32, #tpu.memory_space<hbm>>) dst(%arg7 : memref<40x128xi32, #tpu.memory_space<vmem>>)
      tpu.yield
    }) : () -> ()
    %dma_start3A_21 = arith.constant 0 : i32
    %dma_start3A_22 = arith.constant 0 : i32
    %dma_start3A_23 = tpu.memref_slice %arg6[%dma_start3A_21, %dma_start3A_22] : memref<40x128xi32, #tpu.memory_space<vmem>> -> memref<1x128xi32, #tpu.memory_space<vmem>>
    %dma_start3A_24 = tpu.memref_squeeze %dma_start3A_23 : memref<1x128xi32, #tpu.memory_space<vmem>> -> memref<128xi32, #tpu.memory_space<vmem>>
    %dma_start3A_25 = arith.constant 0 : i32
    %dma_start3A_26 = arith.constant 0 : i32
    %dma_start3A_27 = tpu.memref_slice %arg2[%dma_start3A_25, %dma_start3A_26] : memref<10240x128xf32, #tpu.memory_space<hbm>> -> memref<10240x128xf32, #tpu.memory_space<hbm>>
    tpu.enqueue_indirect_dma source(%dma_start3A_27 : memref<10240x128xf32, #tpu.memory_space<hbm>>) target(%arg8 : memref<128x128xf32, #tpu.memory_space<vmem>>) offsets(%dma_start3A_24 : memref<128xi32, #tpu.memory_space<vmem>>) semaphore(%arg11 : memref<!tpu.dma_semaphore, #tpu.memory_space<semaphore_mem>>)
    %scan3A_28 = arith.constant 0 : i32
    %scan3A_29 = arith.constant 0 : i32
    %scan3A_30 = arith.constant 20 : i32
    %scan3A_31 = arith.addi %scan3A_29, %scan3A_30 : i32
    %scan3A_32 = arith.constant 1 : i32
    scf.for %scan3A_35 = %scan3A_29 to %scan3A_31 step %scan3A_32  : i32 {
      %mul3A_36 = arith.constant 2 : i32
      %mul3A_37 = arith.muli %mul3A_36, %scan3A_35 : i32
      %add3A_38 = arith.constant 1 : i32
      %add3A_39 = arith.addi %mul3A_37, %add3A_38 : i32
      %dma_start3A_40 = arith.constant 0 : i32
      %dma_start3A_41 = tpu.memref_slice %arg6[%add3A_39, %dma_start3A_40] : memref<40x128xi32, #tpu.memory_space<vmem>> -> memref<1x128xi32, #tpu.memory_space<vmem>>
      %dma_start3A_42 = tpu.memref_squeeze %dma_start3A_41 : memref<1x128xi32, #tpu.memory_space<vmem>> -> memref<128xi32, #tpu.memory_space<vmem>>
      %dma_start3A_43 = arith.constant 0 : i32
      %dma_start3A_44 = arith.constant 0 : i32
      %dma_start3A_45 = tpu.memref_slice %arg2[%dma_start3A_43, %dma_start3A_44] : memref<10240x128xf32, #tpu.memory_space<hbm>> -> memref<10240x128xf32, #tpu.memory_space<hbm>>
      tpu.enqueue_indirect_dma source(%dma_start3A_45 : memref<10240x128xf32, #tpu.memory_space<hbm>>) target(%arg9 : memref<128x128xf32, #tpu.memory_space<vmem>>) offsets(%dma_start3A_42 : memref<128xi32, #tpu.memory_space<vmem>>) semaphore(%arg12 : memref<!tpu.dma_semaphore, #tpu.memory_space<semaphore_mem>>)
      %dma_wait3A = arith.constant 0 : i32
      %dma_wait3A_46 = tpu.memref_slice %arg6[%mul3A_37, %dma_wait3A] : memref<40x128xi32, #tpu.memory_space<vmem>> -> memref<1x128xi32, #tpu.memory_space<vmem>>
      %dma_wait3A_47 = tpu.memref_squeeze %dma_wait3A_46 : memref<1x128xi32, #tpu.memory_space<vmem>> -> memref<128xi32, #tpu.memory_space<vmem>>
      %dma_wait3A_48 = arith.constant 0 : i32
      %dma_wait3A_49 = arith.constant 0 : i32
      %dma_wait3A_50 = tpu.memref_slice %arg2[%dma_wait3A_48, %dma_wait3A_49] : memref<10240x128xf32, #tpu.memory_space<hbm>> -> memref<10240x128xf32, #tpu.memory_space<hbm>>
      tpu.wait_indirect_dma semaphore(%arg11 : memref<!tpu.dma_semaphore, #tpu.memory_space<semaphore_mem>>) src(%dma_wait3A_50 : memref<10240x128xf32, #tpu.memory_space<hbm>>) dst(%arg8 : memref<128x128xf32, #tpu.memory_space<vmem>>)
      "tpu.region"() ({
        %run_scoped3A = tpu.sem_alloc : memref<!tpu.dma_semaphore, #tpu.memory_space<semaphore_mem>>
        %dma_start3A_63 = arith.constant 0 : i32
        %dma_start3A_64 = tpu.memref_slice %arg7[%mul3A_37, %dma_start3A_63] : memref<40x128xi32, #tpu.memory_space<vmem>> -> memref<1x128xi32, #tpu.memory_space<vmem>>
        %dma_start3A_65 = tpu.memref_squeeze %dma_start3A_64 : memref<1x128xi32, #tpu.memory_space<vmem>> -> memref<128xi32, #tpu.memory_space<vmem>>
        %dma_start3A_66 = arith.constant 0 : i32
        %dma_start3A_67 = arith.constant 0 : i32
        %dma_start3A_68 = tpu.memref_slice %arg10[%dma_start3A_66, %dma_start3A_67] : memref<10240x128xf32, #tpu.memory_space<vmem_shared>> -> memref<10240x128xf32, #tpu.memory_space<vmem_shared>>
        tpu.enqueue_indirect_dma source(%arg8 : memref<128x128xf32, #tpu.memory_space<vmem>>) target(%dma_start3A_68 : memref<10240x128xf32, #tpu.memory_space<vmem_shared>>) offsets(%dma_start3A_65 : memref<128xi32, #tpu.memory_space<vmem>>) semaphore(%run_scoped3A : memref<!tpu.dma_semaphore, #tpu.memory_space<semaphore_mem>>) {add = true}
        %dma_wait3A_69 = arith.constant 0 : i32
        %dma_wait3A_70 = tpu.memref_slice %arg7[%mul3A_37, %dma_wait3A_69] : memref<40x128xi32, #tpu.memory_space<vmem>> -> memref<1x128xi32, #tpu.memory_space<vmem>>
        %dma_wait3A_71 = tpu.memref_squeeze %dma_wait3A_70 : memref<1x128xi32, #tpu.memory_space<vmem>> -> memref<128xi32, #tpu.memory_space<vmem>>
        %dma_wait3A_72 = arith.constant 0 : i32
        %dma_wait3A_73 = arith.constant 0 : i32
        %dma_wait3A_74 = tpu.memref_slice %arg10[%dma_wait3A_72, %dma_wait3A_73] : memref<10240x128xf32, #tpu.memory_space<vmem_shared>> -> memref<10240x128xf32, #tpu.memory_space<vmem_shared>>
        tpu.wait_indirect_dma semaphore(%run_scoped3A : memref<!tpu.dma_semaphore, #tpu.memory_space<semaphore_mem>>) src(%arg8 : memref<128x128xf32, #tpu.memory_space<vmem>>) dst(%dma_wait3A_74 : memref<10240x128xf32, #tpu.memory_space<vmem_shared>>)
        tpu.yield
      }) : () -> ()
      %lt3A = arith.constant 19 : i32
      %lt3A_51 = arith.cmpi slt, %scan3A_35, %lt3A : i32
      %convert_element_type3A = arith.extui %lt3A_51 : i1 to i32
      %cond3A = arith.constant 0 : i32
      %cond3A_52 = arith.cmpi ne, %convert_element_type3A, %cond3A : i32
      scf.if %cond3A_52 {
        %add3A_63 = arith.constant 2 : i32
        %add3A_64 = arith.addi %mul3A_37, %add3A_63 : i32
        %dma_start3A_65 = arith.constant 0 : i32
        %dma_start3A_66 = tpu.memref_slice %arg6[%add3A_64, %dma_start3A_65] : memref<40x128xi32, #tpu.memory_space<vmem>> -> memref<1x128xi32, #tpu.memory_space<vmem>>
        %dma_start3A_67 = tpu.memref_squeeze %dma_start3A_66 : memref<1x128xi32, #tpu.memory_space<vmem>> -> memref<128xi32, #tpu.memory_space<vmem>>
        %dma_start3A_68 = arith.constant 0 : i32
        %dma_start3A_69 = arith.constant 0 : i32
        %dma_start3A_70 = tpu.memref_slice %arg2[%dma_start3A_68, %dma_start3A_69] : memref<10240x128xf32, #tpu.memory_space<hbm>> -> memref<10240x128xf32, #tpu.memory_space<hbm>>
        tpu.enqueue_indirect_dma source(%dma_start3A_70 : memref<10240x128xf32, #tpu.memory_space<hbm>>) target(%arg8 : memref<128x128xf32, #tpu.memory_space<vmem>>) offsets(%dma_start3A_67 : memref<128xi32, #tpu.memory_space<vmem>>) semaphore(%arg11 : memref<!tpu.dma_semaphore, #tpu.memory_space<semaphore_mem>>)
      } else {
      }
      %add3A_53 = arith.constant 1 : i32
      %add3A_54 = arith.addi %mul3A_37, %add3A_53 : i32
      %dma_wait3A_55 = arith.constant 0 : i32
      %dma_wait3A_56 = tpu.memref_slice %arg6[%add3A_54, %dma_wait3A_55] : memref<40x128xi32, #tpu.memory_space<vmem>> -> memref<1x128xi32, #tpu.memory_space<vmem>>
      %dma_wait3A_57 = tpu.memref_squeeze %dma_wait3A_56 : memref<1x128xi32, #tpu.memory_space<vmem>> -> memref<128xi32, #tpu.memory_space<vmem>>
      %dma_wait3A_58 = arith.constant 0 : i32
      %dma_wait3A_59 = arith.constant 0 : i32
      %dma_wait3A_60 = tpu.memref_slice %arg2[%dma_wait3A_58, %dma_wait3A_59] : memref<10240x128xf32, #tpu.memory_space<hbm>> -> memref<10240x128xf32, #tpu.memory_space<hbm>>
      tpu.wait_indirect_dma semaphore(%arg12 : memref<!tpu.dma_semaphore, #tpu.memory_space<semaphore_mem>>) src(%dma_wait3A_60 : memref<10240x128xf32, #tpu.memory_space<hbm>>) dst(%arg9 : memref<128x128xf32, #tpu.memory_space<vmem>>)
      %add3A_61 = arith.constant 1 : i32
      %add3A_62 = arith.addi %mul3A_37, %add3A_61 : i32
      "tpu.region"() ({
        %run_scoped3A = tpu.sem_alloc : memref<!tpu.dma_semaphore, #tpu.memory_space<semaphore_mem>>
        %dma_start3A_63 = arith.constant 0 : i32
        %dma_start3A_64 = tpu.memref_slice %arg7[%add3A_62, %dma_start3A_63] : memref<40x128xi32, #tpu.memory_space<vmem>> -> memref<1x128xi32, #tpu.memory_space<vmem>>
        %dma_start3A_65 = tpu.memref_squeeze %dma_start3A_64 : memref<1x128xi32, #tpu.memory_space<vmem>> -> memref<128xi32, #tpu.memory_space<vmem>>
        %dma_start3A_66 = arith.constant 0 : i32
        %dma_start3A_67 = arith.constant 0 : i32
        %dma_start3A_68 = tpu.memref_slice %arg10[%dma_start3A_66, %dma_start3A_67] : memref<10240x128xf32, #tpu.memory_space<vmem_shared>> -> memref<10240x128xf32, #tpu.memory_space<vmem_shared>>
        tpu.enqueue_indirect_dma source(%arg9 : memref<128x128xf32, #tpu.memory_space<vmem>>) target(%dma_start3A_68 : memref<10240x128xf32, #tpu.memory_space<vmem_shared>>) offsets(%dma_start3A_65 : memref<128xi32, #tpu.memory_space<vmem>>) semaphore(%run_scoped3A : memref<!tpu.dma_semaphore, #tpu.memory_space<semaphore_mem>>) {add = true}
        %dma_wait3A_69 = arith.constant 0 : i32
        %dma_wait3A_70 = tpu.memref_slice %arg7[%add3A_62, %dma_wait3A_69] : memref<40x128xi32, #tpu.memory_space<vmem>> -> memref<1x128xi32, #tpu.memory_space<vmem>>
        %dma_wait3A_71 = tpu.memref_squeeze %dma_wait3A_70 : memref<1x128xi32, #tpu.memory_space<vmem>> -> memref<128xi32, #tpu.memory_space<vmem>>
        %dma_wait3A_72 = arith.constant 0 : i32
        %dma_wait3A_73 = arith.constant 0 : i32
        %dma_wait3A_74 = tpu.memref_slice %arg10[%dma_wait3A_72, %dma_wait3A_73] : memref<10240x128xf32, #tpu.memory_space<vmem_shared>> -> memref<10240x128xf32, #tpu.memory_space<vmem_shared>>
        tpu.wait_indirect_dma semaphore(%run_scoped3A : memref<!tpu.dma_semaphore, #tpu.memory_space<semaphore_mem>>) src(%arg9 : memref<128x128xf32, #tpu.memory_space<vmem>>) dst(%dma_wait3A_74 : memref<10240x128xf32, #tpu.memory_space<vmem_shared>>)
        tpu.yield
      }) : () -> ()
    }
    %scan3A_33 = arith.constant 20 : i32
    %barrier3A_34 = arith.constant 0 : index
    tpu.barrier barrier_id(%barrier3A_34)
    "tpu.region"() ({
      %run_scoped3A = tpu.sem_alloc : memref<!tpu.dma_semaphore, #tpu.memory_space<semaphore_mem>>
      %dma_start3A_35 = arith.constant 0 : i32
      %dma_start3A_36 = tpu.memref_slice %arg5[%arg0, %mul3A_0, %dma_start3A_35] : memref<2x10240x128xf32, #tpu.memory_space<hbm>> -> memref<1x640x128xf32, #tpu.memory_space<hbm>>
      %dma_start3A_37 = tpu.memref_squeeze %dma_start3A_36 : memref<1x640x128xf32, #tpu.memory_space<hbm>> -> memref<640x128xf32, #tpu.memory_space<hbm>>
      %dma_start3A_38 = arith.constant 0 : i32
      %dma_start3A_39 = tpu.memref_slice %arg10[%mul3A_0, %dma_start3A_38] : memref<10240x128xf32, #tpu.memory_space<vmem_shared>> -> memref<640x128xf32, #tpu.memory_space<vmem_shared>>
      tpu.enqueue_dma source(%dma_start3A_39 : memref<640x128xf32, #tpu.memory_space<vmem_shared>>) target(%dma_start3A_37 : memref<640x128xf32, #tpu.memory_space<hbm>>) target_semaphore(%run_scoped3A : memref<!tpu.dma_semaphore, #tpu.memory_space<semaphore_mem>>)
      %dma_wait3A = arith.constant 0 : i32
      %dma_wait3A_40 = tpu.memref_slice %arg5[%arg0, %mul3A_0, %dma_wait3A] : memref<2x10240x128xf32, #tpu.memory_space<hbm>> -> memref<1x640x128xf32, #tpu.memory_space<hbm>>
      %dma_wait3A_41 = tpu.memref_squeeze %dma_wait3A_40 : memref<1x640x128xf32, #tpu.memory_space<hbm>> -> memref<640x128xf32, #tpu.memory_space<hbm>>
      %dma_wait3A_42 = arith.constant 0 : i32
      %dma_wait3A_43 = tpu.memref_slice %arg10[%mul3A_0, %dma_wait3A_42] : memref<10240x128xf32, #tpu.memory_space<vmem_shared>> -> memref<640x128xf32, #tpu.memory_space<vmem_shared>>
      tpu.wait_dma2 semaphore(%run_scoped3A : memref<!tpu.dma_semaphore, #tpu.memory_space<semaphore_mem>>) src(%dma_wait3A_43 : memref<640x128xf32, #tpu.memory_space<vmem_shared>>) dst(%dma_wait3A_41 : memref<640x128xf32, #tpu.memory_space<hbm>>)
      tpu.yield
    }) : () -> ()
    return
  }
}

module attributes {stable_mosaic.version = 14 : i64} {
  func.func @_tc_b_body(%arg0: i32, %arg1: memref<2x1024x128xf32, #tpu.memory_space<vmem>>, %arg2: memref<1024x128xf32, #tpu.memory_space<vmem>>, %arg3: memref<1024x1xf32, #tpu.memory_space<vmem>>, %arg4: memref<1x128xf32, #tpu.memory_space<vmem>>, %arg5: memref<128x128xf32, #tpu.memory_space<vmem>>, %arg6: memref<1024x128xf32, #tpu.memory_space<vmem>>) attributes {dimension_semantics = [#tpu.dimension_semantics<arbitrary>], iteration_bounds = array<i64: 10>, scalar_prefetch = 0 : i64, scratch_operands = 0 : i64, tpu.core_type = #tpu.core_type<tc>, window_params = [{transform_indices = @transform_0, window_bounds = array<i64: 2, 1024, 128>}, {transform_indices = @transform_1, window_bounds = array<i64: 1024, 128>}, {transform_indices = @transform_2, window_bounds = array<i64: 1024, 1>}, {pipeline_mode = #tpu.pipeline_mode<synchronous>, transform_indices = @transform_3, window_bounds = array<i64: 1, 128>}, {pipeline_mode = #tpu.pipeline_mode<synchronous>, transform_indices = @transform_4, window_bounds = array<i64: 128, 128>}, {transform_indices = @transform_5, window_bounds = array<i64: 1024, 128>}]} {
    %get3A = arith.constant 0 : index
    %get3A_0 = arith.constant 0 : index
    %get3A_1 = arith.constant 0 : index
    %get3A_2 = vector.load %arg1[%get3A, %get3A_0, %get3A_1] : memref<2x1024x128xf32, #tpu.memory_space<vmem>>, vector<1x1024x128xf32>
    %get3A_3 = vector.shape_cast %get3A_2 : vector<1x1024x128xf32> to vector<1024x128xf32>
    %get3A_4 = arith.constant 1 : index
    %get3A_5 = arith.constant 0 : index
    %get3A_6 = arith.constant 0 : index
    %get3A_7 = vector.load %arg1[%get3A_4, %get3A_5, %get3A_6] : memref<2x1024x128xf32, #tpu.memory_space<vmem>>, vector<1x1024x128xf32>
    %get3A_8 = vector.shape_cast %get3A_7 : vector<1x1024x128xf32> to vector<1024x128xf32>
    %add3A = arith.addf %get3A_3, %get3A_8 : vector<1024x128xf32>
    %get3A_9 = arith.constant 0 : index
    %get3A_10 = arith.constant 0 : index
    %get3A_11 = vector.load %arg2[%get3A_9, %get3A_10] : memref<1024x128xf32, #tpu.memory_space<vmem>>, vector<1024x128xf32>
    %sub3A = arith.subf %add3A, %get3A_11 : vector<1024x128xf32>
    %get3A_12 = arith.constant 0 : index
    %get3A_13 = arith.constant 0 : index
    %get3A_14 = vector.load %arg3[%get3A_12, %get3A_13] : memref<1024x1xf32, #tpu.memory_space<vmem>>, vector<1024x1xf32>
    %mul3A = vector.broadcast %get3A_14 : vector<1024x1xf32> to vector<1024x128xf32>
    %mul3A_15 = arith.mulf %mul3A, %sub3A : vector<1024x128xf32>
    %get3A_16 = arith.constant 0 : index
    %get3A_17 = arith.constant 0 : index
    %get3A_18 = vector.load %arg4[%get3A_16, %get3A_17] : memref<1x128xf32, #tpu.memory_space<vmem>>, vector<1x128xf32>
    %add3A_19 = vector.broadcast %get3A_18 : vector<1x128xf32> to vector<1024x128xf32>
    %add3A_20 = arith.addf %mul3A_15, %add3A_19 : vector<1024x128xf32>
    %max3A = arith.constant 0.000000e+00 : f32
    %max3A_21 = vector.broadcast %max3A : f32 to vector<1024x128xf32>
    %max3A_22 = arith.maximumf %add3A_20, %max3A_21 : vector<1024x128xf32>
    %get3A_23 = arith.constant 0 : index
    %get3A_24 = arith.constant 0 : index
    %get3A_25 = vector.load %arg5[%get3A_23, %get3A_24] : memref<128x128xf32, #tpu.memory_space<vmem>>, vector<128x128xf32>
    %dot_general3A = arith.constant dense<0.000000e+00> : vector<1024x128xf32>
    %dot_general3A_26 = tpu.matmul %max3A_22, %get3A_25, %dot_general3A {dimension_numbers = #tpu.dot_dimension_numbers<[1], [0], [0], [1], [0, 0, 1, 1], [], []>, transpose_lhs_hint = false} : vector<1024x128xf32>, vector<128x128xf32>, vector<1024x128xf32> -> vector<1024x128xf32>
    %get3A_27 = arith.constant 0 : index
    %get3A_28 = arith.constant 0 : index
    %get3A_29 = vector.load %arg3[%get3A_27, %get3A_28] : memref<1024x1xf32, #tpu.memory_space<vmem>>, vector<1024x1xf32>
    %mul3A_30 = vector.broadcast %get3A_29 : vector<1024x1xf32> to vector<1024x128xf32>
    %mul3A_31 = arith.mulf %mul3A_30, %dot_general3A_26 : vector<1024x128xf32>
    %swap3A = arith.constant 0 : index
    %swap3A_32 = arith.constant 0 : index
    %swap3A_33 = vector.load %arg6[%swap3A, %swap3A_32] : memref<1024x128xf32, #tpu.memory_space<vmem>>, vector<1024x128xf32>
    tpu.vector_store %arg6[%swap3A, %swap3A_32], %mul3A_31 {strides = array<i32>} : memref<1024x128xf32, #tpu.memory_space<vmem>>, vector<1024x128xf32>,
    return
  }
  func.func @transform_0(%arg0: i32) -> (i32, i32, i32) {
    %c0_i32 = arith.constant 0 : i32
    %c0_i32_0 = arith.constant 0 : i32
    %c0_i32_1 = arith.constant 0 : i32
    return %c0_i32, %arg0, %c0_i32_0 : i32, i32, i32
  }
  func.func @transform_1(%arg0: i32) -> (i32, i32) {
    %c0_i32 = arith.constant 0 : i32
    %c0_i32_0 = arith.constant 0 : i32
    return %arg0, %c0_i32 : i32, i32
  }
  func.func @transform_2(%arg0: i32) -> (i32, i32) {
    %c0_i32 = arith.constant 0 : i32
    %c0_i32_0 = arith.constant 0 : i32
    return %arg0, %c0_i32 : i32, i32
  }
  func.func @transform_3(%arg0: i32) -> (i32, i32) {
    %c0_i32 = arith.constant 0 : i32
    %c0_i32_0 = arith.constant 0 : i32
    %c0_i32_1 = arith.constant 0 : i32
    return %c0_i32, %c0_i32_0 : i32, i32
  }
  func.func @transform_4(%arg0: i32) -> (i32, i32) {
    %c0_i32 = arith.constant 0 : i32
    %c0_i32_0 = arith.constant 0 : i32
    %c0_i32_1 = arith.constant 0 : i32
    return %c0_i32, %c0_i32_0 : i32, i32
  }
  func.func @transform_5(%arg0: i32) -> (i32, i32) {
    %c0_i32 = arith.constant 0 : i32
    %c0_i32_0 = arith.constant 0 : i32
    return %arg0, %c0_i32 : i32, i32
  }
}

module attributes {stable_mosaic.version = 14 : i64} {
  func.func @_tc_c_body(%arg0: i32, %arg1: memref<2x1000x128xf32, #tpu.memory_space<vmem>>, %arg2: memref<1000x128xf32, #tpu.memory_space<vmem>>, %arg3: memref<1000x1xf32, #tpu.memory_space<vmem>>, %arg4: memref<1x128xf32, #tpu.memory_space<vmem>>, %arg5: memref<1000x128xf32, #tpu.memory_space<vmem>>) attributes {dimension_semantics = [#tpu.dimension_semantics<arbitrary>], iteration_bounds = array<i64: 10>, scalar_prefetch = 0 : i64, scratch_operands = 0 : i64, tpu.core_type = #tpu.core_type<tc>, window_params = [{transform_indices = @transform_0, window_bounds = array<i64: 2, 1000, 128>}, {transform_indices = @transform_1, window_bounds = array<i64: 1000, 128>}, {transform_indices = @transform_2, window_bounds = array<i64: 1000, 1>}, {pipeline_mode = #tpu.pipeline_mode<synchronous>, transform_indices = @transform_3, window_bounds = array<i64: 1, 128>}, {transform_indices = @transform_4, window_bounds = array<i64: 1000, 128>}]} {
    %get3A = arith.constant 0 : index
    %get3A_0 = arith.constant 0 : index
    %get3A_1 = arith.constant 0 : index
    %get3A_2 = vector.load %arg1[%get3A, %get3A_0, %get3A_1] : memref<2x1000x128xf32, #tpu.memory_space<vmem>>, vector<1x1000x128xf32>
    %get3A_3 = vector.shape_cast %get3A_2 : vector<1x1000x128xf32> to vector<1000x128xf32>
    %get3A_4 = arith.constant 1 : index
    %get3A_5 = arith.constant 0 : index
    %get3A_6 = arith.constant 0 : index
    %get3A_7 = vector.load %arg1[%get3A_4, %get3A_5, %get3A_6] : memref<2x1000x128xf32, #tpu.memory_space<vmem>>, vector<1x1000x128xf32>
    %get3A_8 = vector.shape_cast %get3A_7 : vector<1x1000x128xf32> to vector<1000x128xf32>
    %add3A = arith.addf %get3A_3, %get3A_8 : vector<1000x128xf32>
    %get3A_9 = arith.constant 0 : index
    %get3A_10 = arith.constant 0 : index
    %get3A_11 = vector.load %arg2[%get3A_9, %get3A_10] : memref<1000x128xf32, #tpu.memory_space<vmem>>, vector<1000x128xf32>
    %sub3A = arith.subf %add3A, %get3A_11 : vector<1000x128xf32>
    %get3A_12 = arith.constant 0 : index
    %get3A_13 = arith.constant 0 : index
    %get3A_14 = vector.load %arg3[%get3A_12, %get3A_13] : memref<1000x1xf32, #tpu.memory_space<vmem>>, vector<1000x1xf32>
    %mul3A = vector.broadcast %get3A_14 : vector<1000x1xf32> to vector<1000x128xf32>
    %mul3A_15 = arith.mulf %mul3A, %sub3A : vector<1000x128xf32>
    %get3A_16 = arith.constant 0 : index
    %get3A_17 = arith.constant 0 : index
    %get3A_18 = vector.load %arg4[%get3A_16, %get3A_17] : memref<1x128xf32, #tpu.memory_space<vmem>>, vector<1x128xf32>
    %add3A_19 = vector.broadcast %get3A_18 : vector<1x128xf32> to vector<1000x128xf32>
    %add3A_20 = arith.addf %mul3A_15, %add3A_19 : vector<1000x128xf32>
    %reduce_max3A = arith.constant dense<0xFF800000> : vector<1000xf32>
    %reduce_max3A_21 = vector.multi_reduction <maximumf>, %add3A_20, %reduce_max3A [1] : vector<1000x128xf32> to vector<1000xf32>
    %broadcast_in_dim3A = vector.shape_cast %reduce_max3A_21 : vector<1000xf32> to vector<1000x1xf32>
    %sub3A_22 = vector.broadcast %broadcast_in_dim3A : vector<1000x1xf32> to vector<1000x128xf32>
    %sub3A_23 = arith.subf %add3A_20, %sub3A_22 : vector<1000x128xf32>
    %exp3A = math.exp %sub3A_23 : vector<1000x128xf32>
    %reduce_sum3A = arith.constant dense<0.000000e+00> : vector<1000xf32>
    %reduce_sum3A_24 = vector.multi_reduction <add>, %exp3A, %reduce_sum3A [1] : vector<1000x128xf32> to vector<1000xf32>
    %broadcast_in_dim3A_25 = vector.shape_cast %reduce_sum3A_24 : vector<1000xf32> to vector<1000x1xf32>
    %log3A = math.log %broadcast_in_dim3A_25 : vector<1000x1xf32>
    %add3A_26 = arith.addf %log3A, %broadcast_in_dim3A : vector<1000x1xf32>
    %sub3A_27 = vector.broadcast %add3A_26 : vector<1000x1xf32> to vector<1000x128xf32>
    %sub3A_28 = arith.subf %add3A_20, %sub3A_27 : vector<1000x128xf32>
    %swap3A = arith.constant 0 : index
    %swap3A_29 = arith.constant 0 : index
    %swap3A_30 = vector.load %arg5[%swap3A, %swap3A_29] : memref<1000x128xf32, #tpu.memory_space<vmem>>, vector<1000x128xf32>
    tpu.vector_store %arg5[%swap3A, %swap3A_29], %sub3A_28 {strides = array<i32>} : memref<1000x128xf32, #tpu.memory_space<vmem>>, vector<1000x128xf32>,
    return
  }
  func.func @transform_0(%arg0: i32) -> (i32, i32, i32) {
    %c0_i32 = arith.constant 0 : i32
    %c0_i32_0 = arith.constant 0 : i32
    %c0_i32_1 = arith.constant 0 : i32
    return %c0_i32, %arg0, %c0_i32_0 : i32, i32, i32
  }
  func.func @transform_1(%arg0: i32) -> (i32, i32) {
    %c0_i32 = arith.constant 0 : i32
    %c0_i32_0 = arith.constant 0 : i32
    return %arg0, %c0_i32 : i32, i32
  }
  func.func @transform_2(%arg0: i32) -> (i32, i32) {
    %c0_i32 = arith.constant 0 : i32
    %c0_i32_0 = arith.constant 0 : i32
    return %arg0, %c0_i32 : i32, i32
  }
  func.func @transform_3(%arg0: i32) -> (i32, i32) {
    %c0_i32 = arith.constant 0 : i32
    %c0_i32_0 = arith.constant 0 : i32
    %c0_i32_1 = arith.constant 0 : i32
    return %c0_i32, %c0_i32_0 : i32, i32
  }
  func.func @transform_4(%arg0: i32) -> (i32, i32) {
    %c0_i32 = arith.constant 0 : i32
    %c0_i32_0 = arith.constant 0 : i32
    return %arg0, %c0_i32 : i32, i32
  }
}

module attributes {stable_mosaic.version = 14 : i64} {
  func.func @_tc_a_body(%arg0: i32, %arg1: memref<1024x128xf32, #tpu.memory_space<vmem>>, %arg2: memref<128x128xf32, #tpu.memory_space<vmem>>, %arg3: memref<32x1024xf32, #tpu.memory_space<vmem>>, %arg4: memref<1024x128xf32, #tpu.memory_space<vmem>>, %arg5: memref<1024x1xf32, #tpu.memory_space<vmem>>) attributes {dimension_semantics = [#tpu.dimension_semantics<arbitrary>], iteration_bounds = array<i64: 10>, scalar_prefetch = 0 : i64, scratch_operands = 0 : i64, tpu.core_type = #tpu.core_type<tc>, window_params = [{transform_indices = @transform_0, window_bounds = array<i64: 1024, 128>}, {pipeline_mode = #tpu.pipeline_mode<synchronous>, transform_indices = @transform_1, window_bounds = array<i64: 128, 128>}, {transform_indices = @transform_2, window_bounds = array<i64: 32, 1024>}, {transform_indices = @transform_3, window_bounds = array<i64: 1024, 128>}, {transform_indices = @transform_4, window_bounds = array<i64: 1024, 1>}]} {
    %get3A = arith.constant 0 : index
    %get3A_0 = arith.constant 0 : index
    %get3A_1 = vector.load %arg3[%get3A, %get3A_0] : memref<32x1024xf32, #tpu.memory_space<vmem>>, vector<32x1024xf32>
    %reduce_sum3A = arith.constant dense<0.000000e+00> : vector<1024xf32>
    %reduce_sum3A_2 = vector.multi_reduction <add>, %get3A_1, %reduce_sum3A [0] : vector<32x1024xf32> to vector<1024xf32>
    %add3A = arith.constant 1.000000e+00 : f32
    %add3A_3 = vector.broadcast %add3A : f32 to vector<1024xf32>
    %add3A_4 = arith.addf %reduce_sum3A_2, %add3A_3 : vector<1024xf32>
    %rsqrt3A = math.rsqrt %add3A_4 : vector<1024xf32>
    %reshape3A = vector.shape_cast %rsqrt3A : vector<1024xf32> to vector<1024x1xf32>
    %get3A_5 = arith.constant 0 : index
    %get3A_6 = arith.constant 0 : index
    %get3A_7 = vector.load %arg1[%get3A_5, %get3A_6] : memref<1024x128xf32, #tpu.memory_space<vmem>>, vector<1024x128xf32>
    %get3A_8 = arith.constant 0 : index
    %get3A_9 = arith.constant 0 : index
    %get3A_10 = vector.load %arg2[%get3A_8, %get3A_9] : memref<128x128xf32, #tpu.memory_space<vmem>>, vector<128x128xf32>
    %dot_general3A = arith.constant dense<0.000000e+00> : vector<1024x128xf32>
    %dot_general3A_11 = tpu.matmul %get3A_7, %get3A_10, %dot_general3A {dimension_numbers = #tpu.dot_dimension_numbers<[1], [0], [0], [1], [0, 0, 1, 1], [], []>, transpose_lhs_hint = false} : vector<1024x128xf32>, vector<128x128xf32>, vector<1024x128xf32> -> vector<1024x128xf32>
    %mul3A = vector.broadcast %reshape3A : vector<1024x1xf32> to vector<1024x128xf32>
    %mul3A_12 = arith.mulf %mul3A, %dot_general3A_11 : vector<1024x128xf32>
    %swap3A = arith.constant 0 : index
    %swap3A_13 = arith.constant 0 : index
    %swap3A_14 = vector.load %arg4[%swap3A, %swap3A_13] : memref<1024x128xf32, #tpu.memory_space<vmem>>, vector<1024x128xf32>
    tpu.vector_store %arg4[%swap3A, %swap3A_13], %mul3A_12 {strides = array<i32>} : memref<1024x128xf32, #tpu.memory_space<vmem>>, vector<1024x128xf32>,
    %swap3A_15 = arith.constant 0 : index
    %swap3A_16 = arith.constant 0 : index
    %swap3A_17 = vector.load %arg5[%swap3A_15, %swap3A_16] : memref<1024x1xf32, #tpu.memory_space<vmem>>, vector<1024x1xf32>
    tpu.vector_store %arg5[%swap3A_15, %swap3A_16], %reshape3A {strides = array<i32>} : memref<1024x1xf32, #tpu.memory_space<vmem>>, vector<1024x1xf32>,
    return
  }
  func.func @transform_0(%arg0: i32) -> (i32, i32) {
    %c0_i32 = arith.constant 0 : i32
    %c0_i32_0 = arith.constant 0 : i32
    return %arg0, %c0_i32 : i32, i32
  }
  func.func @transform_1(%arg0: i32) -> (i32, i32) {
    %c0_i32 = arith.constant 0 : i32
    %c0_i32_0 = arith.constant 0 : i32
    %c0_i32_1 = arith.constant 0 : i32
    return %c0_i32, %c0_i32_0 : i32, i32
  }
  func.func @transform_2(%arg0: i32) -> (i32, i32) {
    %c0_i32 = arith.constant 0 : i32
    %c0_i32_0 = arith.constant 0 : i32
    return %c0_i32, %arg0 : i32, i32
  }
  func.func @transform_3(%arg0: i32) -> (i32, i32) {
    %c0_i32 = arith.constant 0 : i32
    %c0_i32_0 = arith.constant 0 : i32
    return %arg0, %c0_i32 : i32, i32
  }
  func.func @transform_4(%arg0: i32) -> (i32, i32) {
    %c0_i32 = arith.constant 0 : i32
    %c0_i32_0 = arith.constant 0 : i32
    return %arg0, %c0_i32 : i32, i32
  }
}

</mosaic_0001>

<sc_bundles>
// kernel: kernel.11.cloned.1.call-start
scs
__scs_entry_jumppad:
0x0: {  	(pc) =	sbr.rel $0x88, $3  }
0x1: {  	(tag) =	ssettag $0x0;
	lr =	simm.s32 $0x1  }
0x2: {  	[smem:$0x3F9B] =	sst lr;
	_ =	strace $0xD0000000  }
0x3: {  	_ = 	snop  }
0x4: {  	_ = 	snop  }
0x5: {  	_ = 	snop  }
0x6: {  	_ = 	snop  }
0x7: {  	_ = 	snop  }
__scs_overlays_trampoline_lowered:
0x8: {  	[smem:$0x3FAA] =	sst s0  }
0x9: {  	[smem:$0x3FAB] =	sst s1  }
0xa: {  	[smem:$0x3FAC] =	sst s2  }
0xb: {  	[smem:$0x3FAD] =	sst s3  }
0xc: {  	[smem:$0x3FAE] =	sst s4  }
0xd: {  	[smem:$0x3FAF] =	sst s5  }
0xe: {  	[smem:$0x3FB0] =	sst s6  }
0xf: {  	[smem:$0x3FB1] =	sst s7  }
0x10: {  	[smem:$0x3FB2] =	sst s8  }
0x11: {  	[smem:$0x3FB3] =	sst s9;
	s0 =	simm.s32 @!p0 $0x0  }
0x12: {  	s1 =	sld [smem:$0x3F99];
	s0 =	simm.s32 @p0 $0x1  }
0x13: {  	[smem:$0x3FB4] =	sst s0;
	s0 =	simm.s32 @!p1 $0x0  }
0x14: {  	s2 =	sld [smem:$0x3F98];
	s0 =	simm.s32 @p1 $0x1  }
0x15: {  	[smem:$0x3FB5] =	sst s0;
	s0 =	simm.s32 @!p2 $0x0  }
0x16: {  	s3 =	sld [smem:$0x3FDB];
	s0 =	simm.s32 @p2 $0x1  }
0x17: {  	s4 =	simm.s32 $0x1BF5;
	[smem:$0x3FB7] =	sst s0  }
0x18: {  	s0 =	sld [smem:$0x3F9A];
	_ =	swait.ge [sflag:s4], $0x0  }
0x19: {  	s7 =	sld [smem:$0x3F9B]  }
0x1a: {  	s8 =	sadd.s32 $0xFFFFE003, lr  }
0x1b: {  	s9 =	sadd.s32 $0xFFFFFEF7, lr;
	s5 =	simm.s32 $0xFFFFFFFF;
	p2 =	slt.u32 s8, $0xFFFFF086  }
0x1c: {  	p1 =	slt.u32 s9, $0xF7A;
	s5 =	simm.s32 @!p2 $0x0  }
0x1d: {  	s5 =	simm.s32 @p1 $0x1;
	p0 =	seq.s32 s7, s2  }
0x1e: {  	s7 =	smul.u32 @!p0 $0xF7A, s2;
	p2 =	seq.s32 @!p0 s5, $0x0  }
0x1f: {  	s9 =	smul.u32 $0xF7A, s1;
	s8 =	simm.s32 @!p0 $0x1BF5;
	p2 =	por !p2, p0  }
0x20: {  	[sflag:s8] =	ssyncset.s32 @!p0 $0xFFFFF086;
	s6 =	sadd.s32 @!p0 s3, s7;
	s7 =	simm.s32 @!p0 $0x108  }
0x21: {  	s3 =	sadd.s32 s3, s9;
	s6 =	sadd.s32 @!p0 $0x88, s6;
	s7 =	simm.s32 @p2 $0x1082  }
0x22: {  	[simem:s7], [sflag:s8] =	dma.local @!p0 [hbm:s6], $0xF7A  }
0x23: {  	s9 =	sor.u32 $0xD0000000, s2;
	s6 =	simm.s32 $0x108;
	_ =	swait.ge @!p0 [sflag:s8], $0x0  }
0x24: {  	s3 =	sadd.s32 $0x88, s3;
	s6 =	simm.s32 @!p1 $0x1082;
	[sflag:s4] =	ssyncset.s32 $0xFFFFF086  }
0x25: {  	[simem:s6], [sflag:s4] =	dma.local [hbm:s3], $0xF7A  }
0x26: {  	[smem:$0x3F9B] =	sst s1;
	(tag) =	ssettag s2;
	_ =	strace s9  }
0x27: {  	s1 =	sld [smem:$0x3FAB]  }
0x28: {  	s2 =	sld [smem:$0x3FAC]  }
0x29: {  	s4 =	sld [smem:$0x3FAE]  }
0x2a: {  	p0 =	seq.s32 s5, $0x0;
	s5 =	sld [smem:$0x3FAF]  }
0x2b: {  	s6 =	sld [smem:$0x3FB0]  }
0x2c: {  	s7 =	sld [smem:$0x3FB1]  }
0x2d: {  	s3 =	simm.s32 $0x108;
	s8 =	sld [smem:$0x3FB2]  }
0x2e: {  	s3 =	simm.s32 @!p0 $0x1082;
	s9 =	sld [smem:$0x3FB3]  }
0x2f: {  	lr =	sadd.s32 s0, s3;
	s0 =	sld [smem:$0x3FAA]  }
0x30: {  	s3 =	sld [smem:$0x3FAD]  }
0x31: {  	[smem:$0x3FB6] =	sst s10  }
0x32: {  	s10 =	sld [smem:$0x3FB4];
	_ =	sdelay $0x3  }
0x33: {  	p0 =	seq.s32 s10, $0x1;
	s10 =	sld [smem:$0x3FB6];
	_ =	sdelay $0x3  }
0x34: {  	[smem:$0x3FB6] =	sst s10  }
0x35: {  	s10 =	sld [smem:$0x3FB5];
	_ =	sdelay $0x3  }
0x36: {  	p1 =	seq.s32 s10, $0x1;
	s10 =	sld [smem:$0x3FB6];
	_ =	sdelay $0x3  }
0x37: {  	[smem:$0x3FB6] =	sst s10  }
0x38: {  	s10 =	sld [smem:$0x3FB7]  }
0x39: {  	_ = 	snop;
	(pc) =	sbr.ind lr, $3  }
0x3a: {  	_ = 	snop  }
0x3b: {  	_ = 	snop  }
0x3c: {  	p2 =	seq.s32 s10, $0x1;
	s10 =	sld [smem:$0x3FB6]  }
0x3d: {  	_ =	shalt  }
0x3e: {  	_ =	shalt  }
0x3f: {  	_ =	shalt  }
0x40: {  	_ =	shalt  }
0x41: {  	_ =	shalt  }
0x42: {  	_ =	shalt  }
0x43: {  	_ =	shalt  }
0x44: {  	_ =	shalt  }
0x45: {  	_ =	shalt  }
0x46: {  	_ =	shalt  }
0x47: {  	_ =	shalt  }
0x48: {  	_ =	shalt  }
0x49: {  	_ =	shalt  }
0x4a: {  	_ =	shalt  }
0x4b: {  	_ =	shalt  }
0x4c: {  	_ =	shalt  }
0x4d: {  	_ =	shalt  }
0x4e: {  	_ =	shalt  }
0x4f: {  	_ =	shalt  }
0x50: {  	_ =	shalt  }
0x51: {  	_ =	shalt  }
0x52: {  	_ =	shalt  }
0x53: {  	_ =	shalt  }
0x54: {  	_ =	shalt  }
0x55: {  	_ =	shalt  }
0x56: {  	_ =	shalt  }
0x57: {  	_ =	shalt  }
0x58: {  	_ =	shalt  }
0x59: {  	_ =	shalt  }
0x5a: {  	_ =	shalt  }
0x5b: {  	_ =	shalt  }
0x5c: {  	_ =	shalt  }
0x5d: {  	_ =	shalt  }
0x5e: {  	_ =	shalt  }
0x5f: {  	_ =	shalt  }
0x60: {  	_ =	shalt  }
0x61: {  	_ =	shalt  }
0x62: {  	_ =	shalt  }
0x63: {  	_ =	shalt  }
0x64: {  	_ =	shalt  }
0x65: {  	_ =	shalt  }
0x66: {  	_ =	shalt  }
0x67: {  	_ =	shalt  }
0x68: {  	_ =	shalt  }
0x69: {  	_ =	shalt  }
0x6a: {  	_ =	shalt  }
0x6b: {  	_ =	shalt  }
0x6c: {  	_ =	shalt  }
0x6d: {  	_ =	shalt  }
0x6e: {  	_ =	shalt  }
0x6f: {  	_ =	shalt  }
0x70: {  	_ =	shalt  }
0x71: {  	_ =	shalt  }
0x72: {  	_ =	shalt  }
0x73: {  	_ =	shalt  }
0x74: {  	_ =	shalt  }
0x75: {  	_ =	shalt  }
0x76: {  	_ =	shalt  }
0x77: {  	_ =	shalt  }
0x78: {  	_ =	shalt  }
0x79: {  	_ =	shalt  }
0x7a: {  	_ =	shalt  }
0x7b: {  	_ =	shalt  }
0x7c: {  	_ =	shalt  }
0x7d: {  	_ =	shalt  }
0x7e: {  	_ =	shalt  }
0x7f: {  	_ =	shalt  }
0x80: {  	_ =	shalt  }
0x81: {  	_ =	shalt  }
0x82: {  	_ =	shalt  }
0x83: {  	_ =	shalt  }
0x84: {  	_ =	shalt  }
0x85: {  	_ =	shalt  }
0x86: {  	_ =	shalt  }
0x87: {  	_ =	shalt  }
.Lfunc_end0:
.L_simem_size_0:
called_computation.1_lowered:
.L_overlay_start_0:
0x88: {  	s2 =	sld [smem:$0x3FD9]  }
0x89: {  	s3 =	sld [smem:$0x3FFE];
	_ =	sdelay $0x1  }
0x8a: {  	s1 =	srdreg.scid  }
0x8b: {  	s0 =	sand.u32 $0x1, s1  }
0x8c: {  	s17 =	sshll.u32 s0, $0xA;
	s2 =	sadd.s32 s3, s2  }
0x8d: {  	s2 =	sadd.s32 s2, s17  }
0x8e: {  	[smem:$0x3FC2] =	sst s2  }
0x8f: {  	_ = 	snop  }
0x90: {  	s2 =	sld [smem:$0x3FD0];
	(tm) =	ssettm $0x1  }
0x91: {  	s18 =	sld [smem:$0x3FFB];
	_ =	sdelay $0x3  }
0x92: {  	_ =	strace s18  }
0x93: {  	s3 =	sld [smem:$0x3FFC];
	_ =	sdelay $0x3  }
0x94: {  	_ =	strace s3  }
0x95: {  	s3 =	sld [smem:$0x3FFD];
	_ =	sdelay $0x3  }
0x96: {  	_ =	strace s3  }
0x97: {  	_ =	strace $0x8FFFFFFF  }
0x98: {  	s19 =	sld [smem:$0x3FDB];
	_ =	sdelay $0x1  }
0x99: {  	s4 =	simm.s32 $_scs_section_size  }
0x9a: {  	s5 =	simm.s32 $_size__tile_overlayer_lowered;
	s6 =	simm.s32 $_tile_overlayer_lowered  }
0x9b: {  	s22 =	simm.s32 $0x1BFF;
	s21 =	sshll.u32 s6, $0x1;
	s3 =	sadd.s32 s4, s19  }
0x9c: {  	s7 =	simm.s32 $0x0;
	s20 =	sshll.u32 s5, $0x1;
	s5 =	sadd.s32 s21, s3  }
0x9d: {  	[timem:s7], [sflag:s22] =	dma.local [hbm:s5], s20  }
0x9e: {  	_ =	swait.ge [sflag:s22], s20  }
0x9f: {  	s4 =	ssub.s32 $0x0, s20;
	[sflag:s22] =	ssyncset.done $0x0  }
0xa0: {  	[sflag:s22] =	ssyncadd.s32 s4;
	_ =	sdelay $0x1  }
0xa1: {  	s23 =	simm.s32 $0x1B8B  }
0xa2: {  	_ =	swait.ge [sflag:s23], $0x1  }
0xa3: {  	[sflag:s23] =	ssyncset.done $0x0  }
0xa4: {  	s25 =	simm.s32 $0x1B8E;
	s24 =	sld [smem:$0x3FFE];
	[sflag:s23] =	ssyncadd.s32 $0xFFFFFFFF  }
0xa5: {  	s26 =	simm.s32 $execute0_lowered;
	[smem:$0x3FD2] =	sst s25  }
0xa6: {  	s5 =	sshll.u32 s26, $0x1;
	_ =	strace $0x80000049;
	[dreg:$0x1] =	wrdreg $0xFFFFFFFF  }
0xa7: {  	s28 =	simm.s32 $_size_execute0_lowered;
	s3 =	sadd.s32 s3, s5;
	[dreg:$0x0] =	wrdreg $0x0  }
0xa8: {  	s5 =	sshll.u32 s28, $0x1;
	[dreg:$0x2] =	wrdreg s3  }
0xa9: {  	[dreg:$0x3] =	wrdreg s5  }
0xaa: {  	[dreg:$0x4] =	wrdreg $0xC0  }
0xab: {  	_ =	task [dreg:s7], $0x5FFFF  }
0xac: {  	[dreg:$0x1] =	wrdreg $0xFFFFFFFF  }
0xad: {  	[dreg:$0x0] =	wrdreg $0x60  }
0xae: {  	[dreg:$0x2] =	wrdreg s24  }
0xaf: {  	[dreg:$0x3] =	wrdreg s2  }
0xb0: {  	[dreg:$0x4] =	wrdreg $0xA8000  }
0xb1: {  	[dreg:$0x5] =	wrdreg $0x9  }
0xb2: {  	_ =	task.clear_ibuf [dreg:s7], $0x6FFFF;
	_ =	strace $0x90000049  }
0xb3: {  	s29 =	simm.s32 $0x9;
	_ =	strace $0x8000004B  }
0xb4: {  	_ =	swait.ge [sflag:s29], $0x1  }
0xb5: {  	[sflag:s29] =	ssyncadd.s32 $0xFFFFFFFF  }
0xb6: {  	_ =	strace $0x9000004B  }
0xb7: {  	_ =	sfence  }
0xb8: {  	s30 =	sld [smem:$0x0];
	_ =	sdelay $0x2  }
0xb9: {  	s31 =	sshll.u32 s1, $0xD;
	s1 =	sshrl.u32 s1, $0x2  }
0xba: {  	s3 =	sand.u32 $0x4000, s31;
	s1 =	sadd.s32 s1, s30  }
0xbb: {  	s0 =	sor.u32 s3, s0;
	s1 =	sshll.u32 s1, $0x11  }
0xbc: {  	s0 =	sor.u32 s1, s0  }
0xbd: {  	s0 =	sadd.s32 $0x8F2B, s0  }
0xbe: {  	[sflag:s0] =	ssyncadd.remote.s32 $0x1  }
0xbf: {  	_ =	sfence.sel $0xFFFF  }
0xc0: {  	[dreg:$0x0] =	wrdreg $0xFFFFFFFF;
	(pc) =	sbr.abs _section_cstart, $3  }
0xc1: {  	[dreg:$0x1] =	wrdreg $0xFFFFFFFF  }
0xc2: {  	_ =	task.clear_ibuf [dreg:s7], $0x2FFFF;
	_ =	strace $0x9FFFFFFF  }
0xc3: {  	(tm) =	ssettm $0x7FFFFFFF  }
tec
execute0_lowered:
.L_overlay_start_1:
0x0: {  	(tag) =	ssettag $0x1  }
0x1: {  	s5 =	rddreg [dreg:$0x0]  }
0x2: {  	s9 =	rddreg [dreg:$0x1]  }
0x3: {  	s2 =	rddreg [dreg:$0x2]  }
0x4: {  	s0 =	rddreg [dreg:$0x3]  }
0x5: {  	s4 =	srdreg.scid;
	s1 =	stileid.u32  }
0x6: {  	s3 =	simm.s32 $0x0;
	s16 =	simm.s32 $0x80;
	s17 =	simm.s32 $0x2800  }
0x7: {  	s18 =	simm.s32 $0x6800;
	s19 =	simm.s32 $0x1;
	s20 =	simm.s32 $0x2  }
0x8: {  	s21 =	simm.s32 $0x1380;
	s22 =	simm.s32 $0x2700;
	s23 =	simm.s32 $0x2780  }
0x9: {  	s6 =	sand.u32 $0x1, s4;
	s7 =	smul.u32 $0x14000, s1;
	[smem:$0x7FF] =	sst s3  }
0xa: {  	s4 =	sadd.s32 $0xCC00, s5;
	s10 =	sadd.s32 $0x2C00, s5;
	s11 =	smul.u32 $0x50000, s1  }
0xb: {  	s29 =	sshll.u32 s1, $0x6;
	s8 =	smul.u32 $0x140000, s6;
	_ =	strace $0x8000004A  }
0xc: {  	s12 =	sshll.u32 s6, $0x4;
	s24 =	ssub.s32 $0x2, s6;
	s6 =	sor.u32 $0x1C03, s29  }
0xd: {  	s25 =	sor.u32 s1, s12;
	s26 =	sshrl.u32 s24, $0x1;
	s11 =	sshrl.u32 s11, $0x2  }
0xe: {  	s28 =	sshrl.u32 s7, $0x3;
	s8 =	sadd.s32 s7, s8;
	s12 =	smul.u32 $0x2800, s25  }
0xf: {  	s14 =	ssub.s32 s24, s26;
	s30 =	smul.u32 $0x500, s25;
	s8 =	sshrl.u32 s8, $0x3  }
0x10: {  	s15 =	sadd.s32 s11, s2;
	s24 =	simm.s32 $0x0;
	s13 =	sadd.s32 s8, s5  }
0x11: {  	s31 =	sshrl.u32 s12, $0x3;
	s5 =	sadd.s32 s4, s28;
	s7 =	sadd.s32 s9, s30  }
0x12: {  	s8 =	sadd.s32 s10, s30;
	s12 =	smax.u32 s14, $0x1;
	s11 =	sadd.s32 $0x280, s31  }
0x13: {  	s14 =	simm.s32 $0x3;
	s9 =	sadd.s32 s9, s11;
	s10 =	sadd.s32 s10, s11  }
0x14: {  	s11 =	sadd.s32 $0x34C00, s13;
	s13 =	sshrl.u32 s15, $0x3;
	s15 =	simm.s32 $0x1400  }
.LBB2_1:
0x15: {  	[spmem:s13], [sflag:s6] =	dma.local [hbm:s5], $0x2800  }
0x16: {  	_ =	swait.ge [sflag:s14], $0x2800  }
0x17: {  	[sflag:s14] =	ssyncset.done $0x0  }
0x18: {  	[sflag:s14] =	ssyncadd.s32 $0xFFFFD800  }
0x19: {  	[bflag:$0x0] =	sbarrier.arrive $0xFFFF  }
0x1a: {  	[tilespmem:s3], [sflag:$0x3] =	stream.linear.gather [hbm4b:s7+s3], $0x1400, $0x38;
	[tilespmem:$0x1E800] =	vst v63  }
0x1b: {  	_ =	swait.ge [sflag:s14], $0x1400  }
0x1c: {  	[sflag:s14] =	ssyncset.done $0x0  }
0x1d: {  	[sflag:s14] =	ssyncadd.s32 $0xFFFFEC00  }
0x1e: {  	[tilespmem:s15], [sflag:$0x3] =	stream.linear.gather [hbm4b:s8+s3], $0x1400, $0x38;
	[tilespmem:$0x1E800] =	vst v63  }
0x1f: {  	_ =	swait.ge [sflag:s14], $0x1400  }
0x20: {  	[sflag:s14] =	ssyncset.done $0x0  }
0x21: {  	[sflag:s14] =	ssyncadd.s32 $0xFFFFEC00  }
0x22: {  	[tilespmem:s17], [sflag:$0x1] =	stream.indirect.gather [hbm4b:s4+s16], $0x80, s3, s16, $0xb8;
	[tilespmem:$0x1E800] =	vst v63  }
0x23: {  	s25 =	simm.s32 $0x80  }
0x24: {  	[tilespmem:s18], [sflag:$0x2] =	stream.indirect.gather [hbm4b:s4+s16], $0x80, s25, s16, $0xb8;
	[tilespmem:$0x1E800] =	vst v63  }
0x25: {  	_ =	swait.ge [sflag:s19], $0x4000  }
0x26: {  	[sflag:s19] =	ssyncset.done $0x0  }
0x27: {  	s29 =	simm.s32 $0x1400;
	[sflag:s19] =	ssyncadd.s32 $0xFFFFC000  }
0x28: {  	[spmem:s2] =	stream.indirect.scatter.add.f32 [tilespmem:s17], [sflag:$0x3], $0x80, s29, s16, $0xb8;
	[tilespmem:$0x1E800] =	vst v63  }
0x29: {  	_ =	swait.ge [sflag:s14], $0x4000  }
0x2a: {  	[sflag:s14] =	ssyncset.done $0x0  }
0x2b: {  	s30 =	simm.s32 $0x100;
	[sflag:s14] =	ssyncadd.s32 $0xFFFFC000  }
0x2c: {  	[tilespmem:s17], [sflag:$0x1] =	stream.indirect.gather [hbm4b:s4+s16], $0x80, s30, s16, $0xb8;
	[tilespmem:$0x1E800] =	vst v63  }
0x2d: {  	_ =	swait.ge [sflag:s20], $0x4000  }
0x2e: {  	[sflag:s20] =	ssyncset.done $0x0  }
0x2f: {  	s31 =	simm.s32 $0x1480;
	[sflag:s20] =	ssyncadd.s32 $0xFFFFC000  }
0x30: {  	[spmem:s2] =	stream.indirect.scatter.add.f32 [tilespmem:s18], [sflag:$0x3], $0x80, s31, s16, $0xb8;
	[tilespmem:$0x1E800] =	vst v63  }
0x31: {  	_ =	swait.ge [sflag:s14], $0x4000  }
0x32: {  	s26 =	simm.s32 $0x800;
	s25 =	simm.s32 $0x100;
	[sflag:s14] =	ssyncset.done $0x0  }
.LBB2_2:
0x33: {  	s28 =	sadd.s32 $0x80, s25  }
0x34: {  	[sflag:s14] =	ssyncadd.s32 $0xFFFFC000;
	s29 =	smov.u32 s26;
	s30 =	sadd.s32 $0x400, s26  }
0x35: {  	[tilespmem:s18], [sflag:$0x2] =	stream.indirect.gather [hbm4b:s4+s16], $0x80, s28, s16, $0xb8;
	[tilespmem:$0x1E800] =	vst v63  }
0x36: {  	p0 =	sne.s32 s26, $0x4800;
	_ =	swait.ge [sflag:s19], $0x4000  }
0x37: {  	[sflag:s19] =	ssyncset.done $0x0  }
0x38: {  	s26 =	sadd.s32 $0x1400, s25;
	[sflag:s19] =	ssyncadd.s32 $0xFFFFC000  }
0x39: {  	[spmem:s2] =	stream.indirect.scatter.add.f32 [tilespmem:s17], [sflag:$0x3], $0x80, s26, s16, $0xb8;
	[tilespmem:$0x1E800] =	vst v63  }
0x3a: {  	_ =	swait.ge [sflag:s14], $0x4000  }
0x3b: {  	[sflag:s14] =	ssyncset.done $0x0  }
0x3c: {  	s26 =	sadd.s32 $0x100, s25;
	[sflag:s14] =	ssyncadd.s32 $0xFFFFC000  }
0x3d: {  	[tilespmem:s17], [sflag:$0x1] =	stream.indirect.gather [hbm4b:s4+s16], $0x80, s26, s16, $0xb8;
	[tilespmem:$0x1E800] =	vst v63  }
0x3e: {  	_ =	swait.ge [sflag:s20], $0x4000  }
.Ltmp0:
0x3f: {  	[sflag:s20] =	ssyncset.done $0x0;
	(pc) =	sbr.rel @p0 .LBB2_2-.Ltmp0, $4  }
0x40: {  	s25 =	sadd.s32 $0x1480, s25;
	[sflag:s20] =	ssyncadd.s32 $0xFFFFC000  }
0x41: {  	[spmem:s2] =	stream.indirect.scatter.add.f32 [tilespmem:s18], [sflag:$0x3], $0x80, s25, s16, $0xb8;
	[tilespmem:$0x1E800] =	vst v63  }
0x42: {  	_ =	swait.ge [sflag:s14], $0x4000  }
0x43: {  	s26 =	smov.u32 s30;
	s25 =	sshra.s32 s29, $0x2;
	[sflag:s14] =	ssyncset.done $0x0  }
0x44: {  	s26 =	sadd.s32 $0x80, s25;
	[sflag:s14] =	ssyncadd.s32 $0xFFFFC000  }
0x45: {  	[tilespmem:s18], [sflag:$0x2] =	stream.indirect.gather [hbm4b:s4+s16], $0x80, s26, s16, $0xb8;
	[tilespmem:$0x1E800] =	vst v63  }
0x46: {  	_ =	swait.ge [sflag:s19], $0x4000  }
0x47: {  	[sflag:s19] =	ssyncset.done $0x0  }
0x48: {  	s29 =	sadd.s32 $0x1400, s25;
	[sflag:s19] =	ssyncadd.s32 $0xFFFFC000  }
0x49: {  	[spmem:s2] =	stream.indirect.scatter.add.f32 [tilespmem:s17], [sflag:$0x3], $0x80, s29, s16, $0xb8;
	[tilespmem:$0x1E800] =	vst v63  }
0x4a: {  	_ =	swait.ge [sflag:s14], $0x4000  }
0x4b: {  	[sflag:s14] =	ssyncset.done $0x0  }
0x4c: {  	s30 =	sadd.s32 $0x100, s25;
	[sflag:s14] =	ssyncadd.s32 $0xFFFFC000  }
0x4d: {  	[tilespmem:s17], [sflag:$0x1] =	stream.indirect.gather [hbm4b:s4+s16], $0x80, s30, s16, $0xb8;
	[tilespmem:$0x1E800] =	vst v63  }
0x4e: {  	_ =	swait.ge [sflag:s20], $0x4000  }
0x4f: {  	[sflag:s20] =	ssyncset.done $0x0  }
0x50: {  	s31 =	sadd.s32 $0x1480, s25;
	[sflag:s20] =	ssyncadd.s32 $0xFFFFC000  }
0x51: {  	[spmem:s2] =	stream.indirect.scatter.add.f32 [tilespmem:s18], [sflag:$0x3], $0x80, s31, s16, $0xb8;
	[tilespmem:$0x1E800] =	vst v63  }
0x52: {  	_ =	swait.ge [sflag:s14], $0x4000  }
0x53: {  	[sflag:s14] =	ssyncset.done $0x0  }
0x54: {  	[sflag:s14] =	ssyncadd.s32 $0xFFFFC000  }
0x55: {  	[tilespmem:s18], [sflag:$0x2] =	stream.indirect.gather [hbm4b:s4+s16], $0x80, s21, s16, $0xb8;
	[tilespmem:$0x1E800] =	vst v63  }
0x56: {  	_ =	swait.ge [sflag:s19], $0x4000  }
0x57: {  	[sflag:s19] =	ssyncset.done $0x0  }
0x58: {  	[sflag:s19] =	ssyncadd.s32 $0xFFFFC000  }
0x59: {  	[spmem:s2] =	stream.indirect.scatter.add.f32 [tilespmem:s17], [sflag:$0x3], $0x80, s22, s16, $0xb8;
	[tilespmem:$0x1E800] =	vst v63  }
0x5a: {  	_ =	swait.ge [sflag:s14], $0x4000  }
0x5b: {  	[sflag:s14] =	ssyncset.done $0x0  }
0x5c: {  	[sflag:s14] =	ssyncadd.s32 $0xFFFFC000  }
0x5d: {  	_ =	swait.ge [sflag:s20], $0x4000  }
0x5e: {  	[sflag:s20] =	ssyncset.done $0x0  }
0x5f: {  	[sflag:s20] =	ssyncadd.s32 $0xFFFFC000  }
0x60: {  	[spmem:s2] =	stream.indirect.scatter.add.f32 [tilespmem:s18], [sflag:$0x3], $0x80, s23, s16, $0xb8;
	[tilespmem:$0x1E800] =	vst v63  }
0x61: {  	_ =	swait.ge [sflag:s14], $0x4000  }
0x62: {  	[sflag:s14] =	ssyncset.done $0x0  }
0x63: {  	s26 =	simm.s32 $0x0;
	[sflag:s14] =	ssyncadd.s32 $0xFFFFC000  }
0x64: {  	[tilespmem:s26], [sflag:$0x3] =	stream.linear.gather [hbm4b:s9+s26], $0x1400, $0x38;
	[tilespmem:$0x1E800] =	vst v63  }
0x65: {  	_ =	swait.ge [sflag:s14], $0x1400  }
0x66: {  	[sflag:s14] =	ssyncset.done $0x0  }
0x67: {  	[sflag:s14] =	ssyncadd.s32 $0xFFFFEC00  }
0x68: {  	[tilespmem:s15], [sflag:$0x3] =	stream.linear.gather [hbm4b:s10+s26], $0x1400, $0x38;
	[tilespmem:$0x1E800] =	vst v63  }
0x69: {  	_ =	swait.ge [sflag:s14], $0x1400  }
0x6a: {  	[sflag:s14] =	ssyncset.done $0x0  }
0x6b: {  	[sflag:s14] =	ssyncadd.s32 $0xFFFFEC00  }
0x6c: {  	[tilespmem:s17], [sflag:$0x1] =	stream.indirect.gather [hbm4b:s4+s16], $0x80, s26, s16, $0xb8;
	[tilespmem:$0x1E800] =	vst v63  }
0x6d: {  	s28 =	simm.s32 $0x80  }
0x6e: {  	[tilespmem:s18], [sflag:$0x2] =	stream.indirect.gather [hbm4b:s4+s16], $0x80, s28, s16, $0xb8;
	[tilespmem:$0x1E800] =	vst v63  }
0x6f: {  	_ =	swait.ge [sflag:s19], $0x4000  }
0x70: {  	[sflag:s19] =	ssyncset.done $0x0  }
0x71: {  	s29 =	simm.s32 $0x1400;
	[sflag:s19] =	ssyncadd.s32 $0xFFFFC000  }
0x72: {  	[spmem:s2] =	stream.indirect.scatter.add.f32 [tilespmem:s17], [sflag:$0x3], $0x80, s29, s16, $0xb8;
	[tilespmem:$0x1E800] =	vst v63  }
0x73: {  	_ =	swait.ge [sflag:s14], $0x4000  }
0x74: {  	[sflag:s14] =	ssyncset.done $0x0  }
0x75: {  	s30 =	simm.s32 $0x100;
	[sflag:s14] =	ssyncadd.s32 $0xFFFFC000  }
0x76: {  	[tilespmem:s17], [sflag:$0x1] =	stream.indirect.gather [hbm4b:s4+s16], $0x80, s30, s16, $0xb8;
	[tilespmem:$0x1E800] =	vst v63  }
0x77: {  	_ =	swait.ge [sflag:s20], $0x4000  }
0x78: {  	[sflag:s20] =	ssyncset.done $0x0  }
0x79: {  	s31 =	simm.s32 $0x1480;
	[sflag:s20] =	ssyncadd.s32 $0xFFFFC000  }
0x7a: {  	[spmem:s2] =	stream.indirect.scatter.add.f32 [tilespmem:s18], [sflag:$0x3], $0x80, s31, s16, $0xb8;
	[tilespmem:$0x1E800] =	vst v63  }
0x7b: {  	_ =	swait.ge [sflag:s14], $0x4000  }
0x7c: {  	s25 =	simm.s32 $0x100;
	s26 =	simm.s32 $0x800;
	[sflag:s14] =	ssyncset.done $0x0  }
.LBB2_4:
0x7d: {  	s28 =	sadd.s32 $0x80, s25  }
0x7e: {  	[sflag:s14] =	ssyncadd.s32 $0xFFFFC000;
	s29 =	smov.u32 s26;
	s30 =	sadd.s32 $0x400, s26  }
0x7f: {  	[tilespmem:s18], [sflag:$0x2] =	stream.indirect.gather [hbm4b:s4+s16], $0x80, s28, s16, $0xb8;
	[tilespmem:$0x1E800] =	vst v63  }
0x80: {  	p0 =	sne.s32 s26, $0x4800;
	_ =	swait.ge [sflag:s19], $0x4000  }
0x81: {  	[sflag:s19] =	ssyncset.done $0x0  }
0x82: {  	s26 =	sadd.s32 $0x1400, s25;
	[sflag:s19] =	ssyncadd.s32 $0xFFFFC000  }
0x83: {  	[spmem:s2] =	stream.indirect.scatter.add.f32 [tilespmem:s17], [sflag:$0x3], $0x80, s26, s16, $0xb8;
	[tilespmem:$0x1E800] =	vst v63  }
0x84: {  	_ =	swait.ge [sflag:s14], $0x4000  }
0x85: {  	[sflag:s14] =	ssyncset.done $0x0  }
0x86: {  	s26 =	sadd.s32 $0x100, s25;
	[sflag:s14] =	ssyncadd.s32 $0xFFFFC000  }
0x87: {  	[tilespmem:s17], [sflag:$0x1] =	stream.indirect.gather [hbm4b:s4+s16], $0x80, s26, s16, $0xb8;
	[tilespmem:$0x1E800] =	vst v63  }
0x88: {  	_ =	swait.ge [sflag:s20], $0x4000  }
.Ltmp1:
0x89: {  	[sflag:s20] =	ssyncset.done $0x0;
	(pc) =	sbr.rel @p0 .LBB2_4-.Ltmp1, $4  }
0x8a: {  	s25 =	sadd.s32 $0x1480, s25;
	[sflag:s20] =	ssyncadd.s32 $0xFFFFC000  }
0x8b: {  	[spmem:s2] =	stream.indirect.scatter.add.f32 [tilespmem:s18], [sflag:$0x3], $0x80, s25, s16, $0xb8;
	[tilespmem:$0x1E800] =	vst v63  }
0x8c: {  	_ =	swait.ge [sflag:s14], $0x4000  }
0x8d: {  	s26 =	smov.u32 s30;
	s25 =	sshra.s32 s29, $0x2;
	[sflag:s14] =	ssyncset.done $0x0  }
0x8e: {  	s26 =	sadd.s32 $0x80, s25;
	[sflag:s14] =	ssyncadd.s32 $0xFFFFC000  }
0x8f: {  	[tilespmem:s18], [sflag:$0x2] =	stream.indirect.gather [hbm4b:s4+s16], $0x80, s26, s16, $0xb8;
	[tilespmem:$0x1E800] =	vst v63  }
0x90: {  	_ =	swait.ge [sflag:s19], $0x4000  }
0x91: {  	[sflag:s19] =	ssyncset.done $0x0  }
0x92: {  	s29 =	sadd.s32 $0x1400, s25;
	[sflag:s19] =	ssyncadd.s32 $0xFFFFC000  }
0x93: {  	[spmem:s2] =	stream.indirect.scatter.add.f32 [tilespmem:s17], [sflag:$0x3], $0x80, s29, s16, $0xb8;
	[tilespmem:$0x1E800] =	vst v63  }
0x94: {  	_ =	swait.ge [sflag:s14], $0x4000  }
0x95: {  	[sflag:s14] =	ssyncset.done $0x0  }
0x96: {  	s30 =	sadd.s32 $0x100, s25;
	[sflag:s14] =	ssyncadd.s32 $0xFFFFC000  }
0x97: {  	[tilespmem:s17], [sflag:$0x1] =	stream.indirect.gather [hbm4b:s4+s16], $0x80, s30, s16, $0xb8;
	[tilespmem:$0x1E800] =	vst v63  }
0x98: {  	_ =	swait.ge [sflag:s20], $0x4000  }
0x99: {  	[sflag:s20] =	ssyncset.done $0x0  }
0x9a: {  	s31 =	sadd.s32 $0x1480, s25;
	[sflag:s20] =	ssyncadd.s32 $0xFFFFC000  }
0x9b: {  	[spmem:s2] =	stream.indirect.scatter.add.f32 [tilespmem:s18], [sflag:$0x3], $0x80, s31, s16, $0xb8;
	[tilespmem:$0x1E800] =	vst v63  }
0x9c: {  	_ =	swait.ge [sflag:s14], $0x4000  }
0x9d: {  	[sflag:s14] =	ssyncset.done $0x0  }
0x9e: {  	[sflag:s14] =	ssyncadd.s32 $0xFFFFC000  }
0x9f: {  	[tilespmem:s18], [sflag:$0x2] =	stream.indirect.gather [hbm4b:s4+s16], $0x80, s21, s16, $0xb8;
	[tilespmem:$0x1E800] =	vst v63  }
0xa0: {  	_ =	swait.ge [sflag:s19], $0x4000  }
0xa1: {  	[sflag:s19] =	ssyncset.done $0x0  }
0xa2: {  	[sflag:s19] =	ssyncadd.s32 $0xFFFFC000  }
0xa3: {  	[spmem:s2] =	stream.indirect.scatter.add.f32 [tilespmem:s17], [sflag:$0x3], $0x80, s22, s16, $0xb8;
	[tilespmem:$0x1E800] =	vst v63  }
0xa4: {  	_ =	swait.ge [sflag:s14], $0x4000  }
0xa5: {  	[sflag:s14] =	ssyncset.done $0x0  }
0xa6: {  	[sflag:s14] =	ssyncadd.s32 $0xFFFFC000  }
0xa7: {  	_ =	swait.ge [sflag:s20], $0x4000  }
0xa8: {  	[sflag:s20] =	ssyncset.done $0x0  }
0xa9: {  	[sflag:s20] =	ssyncadd.s32 $0xFFFFC000  }
0xaa: {  	[spmem:s2] =	stream.indirect.scatter.add.f32 [tilespmem:s18], [sflag:$0x3], $0x80, s23, s16, $0xb8;
	[tilespmem:$0x1E800] =	vst v63  }
0xab: {  	_ =	swait.ge [sflag:s14], $0x4000  }
0xac: {  	s24 =	sadd.s32 $0x1, s24;
	[sflag:s14] =	ssyncset.done $0x0  }
0xad: {  	p0 =	sne.s32 s24, s12;
	[sflag:s14] =	ssyncadd.s32 $0xFFFFC000  }
.Ltmp2:
0xae: {  	[bflag:$0x0] =	sbarrier.arrive $0xFFFF;
	(pc) =	sbr.rel @p0 .LBB2_1-.Ltmp2, $4  }
0xaf: {  	[hbm:s11], [sflag:s6] =	dma.local [spmem:s13], $0x2800  }
0xb0: {  	_ =	swait.ge [sflag:s14], $0x2800  }
0xb1: {  	[sflag:s14] =	ssyncset.done $0x0  }
0xb2: {  	[sflag:s14] =	ssyncadd.s32 $0xFFFFD800  }
0xb3: {  	_ =	sfence.sel $0x180000  }
0xb4: {  	[bflag:$0x0] =	sbarrier.arrive $0xFFFF  }
0xb5: {  	p0 =	sne.s32 s1, $0x0;
	_ =	strace $0x9000004A  }
0xb6: {  	s0 =	sadd.s32 @!p0 $0x100000, s0;
	[bflag:$0x2] =	sbarrier.arrive $0xFFFF  }
0xb7: {  	[sflag:s0] =	ssyncadd.tile.s32 @!p0 $0x1;
	_ =	shalt  }
.Lfunc_end2:
_tile_overlayer_lowered:
.L_overlay_start_2:
0xb8: {  	(tag) =	ssettag $0x2  }
0xb9: {  	s0 =	rddreg [dreg:$0x0];
	s2 =	stileid.u32  }
0xba: {  	s1 =	rddreg [dreg:$0x1];
	p0 =	sne.s32 s2, $0x0  }
0xbb: {  	s3 =	rddreg [dreg:$0x2];
	[bflag:$0x3] =	sbarrier.arrive $0xFFFF;
	s2 =	simm.s32 @!p0 $0x1C03  }
0xbc: {  	[timem:s3], [sflag:s2] =	dma.local @!p0 [hbm:s0], s1  }
0xbd: {  	s0 =	simm.s32 @!p0 $0x3  }
0xbe: {  	_ =	swait.ge @!p0 [sflag:s0], s1  }
0xbf: {  	s1 =	ssub.s32 @!p0 $0x0, s1;
	[sflag:s0] =	ssyncset.done @!p0 $0x0  }
0xc0: {  	[sflag:s0] =	ssyncadd.s32 @!p0 s1  }
0xc1: {  	[bflag:$0x3] =	sbarrier.arrive $0xFFFF  }
0xc2: {  	_ =	shalt  }

// kernel: kernel.14.cloned.1.call-start
scs
__scs_entry_jumppad:
0x0: {  	(pc) =	sbr.rel $0x88, $3  }
0x1: {  	(tag) =	ssettag $0x0;
	lr =	simm.s32 $0x1  }
0x2: {  	[smem:$0x3F9B] =	sst lr;
	_ =	strace $0xD0000000  }
0x3: {  	_ = 	snop  }
0x4: {  	_ = 	snop  }
0x5: {  	_ = 	snop  }
0x6: {  	_ = 	snop  }
0x7: {  	_ = 	snop  }
__scs_overlays_trampoline_lowered:
0x8: {  	[smem:$0x3FAA] =	sst s0  }
0x9: {  	[smem:$0x3FAB] =	sst s1  }
0xa: {  	[smem:$0x3FAC] =	sst s2  }
0xb: {  	[smem:$0x3FAD] =	sst s3  }
0xc: {  	[smem:$0x3FAE] =	sst s4  }
0xd: {  	[smem:$0x3FAF] =	sst s5  }
0xe: {  	[smem:$0x3FB0] =	sst s6  }
0xf: {  	[smem:$0x3FB1] =	sst s7  }
0x10: {  	[smem:$0x3FB2] =	sst s8  }
0x11: {  	[smem:$0x3FB3] =	sst s9;
	s0 =	simm.s32 @!p0 $0x0  }
0x12: {  	s1 =	sld [smem:$0x3F99];
	s0 =	simm.s32 @p0 $0x1  }
0x13: {  	[smem:$0x3FB4] =	sst s0;
	s0 =	simm.s32 @!p1 $0x0  }
0x14: {  	s2 =	sld [smem:$0x3F98];
	s0 =	simm.s32 @p1 $0x1  }
0x15: {  	[smem:$0x3FB5] =	sst s0;
	s0 =	simm.s32 @!p2 $0x0  }
0x16: {  	s3 =	sld [smem:$0x3FDB];
	s0 =	simm.s32 @p2 $0x1  }
0x17: {  	s4 =	simm.s32 $0x1BF5;
	[smem:$0x3FB7] =	sst s0  }
0x18: {  	s0 =	sld [smem:$0x3F9A];
	_ =	swait.ge [sflag:s4], $0x0  }
0x19: {  	s7 =	sld [smem:$0x3F9B]  }
0x1a: {  	s8 =	sadd.s32 $0xFFFFE003, lr  }
0x1b: {  	s9 =	sadd.s32 $0xFFFFFEF7, lr;
	s5 =	simm.s32 $0xFFFFFFFF;
	p2 =	slt.u32 s8, $0xFFFFF086  }
0x1c: {  	p1 =	slt.u32 s9, $0xF7A;
	s5 =	simm.s32 @!p2 $0x0  }
0x1d: {  	s5 =	simm.s32 @p1 $0x1;
	p0 =	seq.s32 s7, s2  }
0x1e: {  	s7 =	smul.u32 @!p0 $0xF7A, s2;
	p2 =	seq.s32 @!p0 s5, $0x0  }
0x1f: {  	s9 =	smul.u32 $0xF7A, s1;
	s8 =	simm.s32 @!p0 $0x1BF5;
	p2 =	por !p2, p0  }
0x20: {  	[sflag:s8] =	ssyncset.s32 @!p0 $0xFFFFF086;
	s6 =	sadd.s32 @!p0 s3, s7;
	s7 =	simm.s32 @!p0 $0x108  }
0x21: {  	s3 =	sadd.s32 s3, s9;
	s6 =	sadd.s32 @!p0 $0x88, s6;
	s7 =	simm.s32 @p2 $0x1082  }
0x22: {  	[simem:s7], [sflag:s8] =	dma.local @!p0 [hbm:s6], $0xF7A  }
0x23: {  	s9 =	sor.u32 $0xD0000000, s2;
	s6 =	simm.s32 $0x108;
	_ =	swait.ge @!p0 [sflag:s8], $0x0  }
0x24: {  	s3 =	sadd.s32 $0x88, s3;
	s6 =	simm.s32 @!p1 $0x1082;
	[sflag:s4] =	ssyncset.s32 $0xFFFFF086  }
0x25: {  	[simem:s6], [sflag:s4] =	dma.local [hbm:s3], $0xF7A  }
0x26: {  	[smem:$0x3F9B] =	sst s1;
	(tag) =	ssettag s2;
	_ =	strace s9  }
0x27: {  	s1 =	sld [smem:$0x3FAB]  }
0x28: {  	s2 =	sld [smem:$0x3FAC]  }
0x29: {  	s4 =	sld [smem:$0x3FAE]  }
0x2a: {  	p0 =	seq.s32 s5, $0x0;
	s5 =	sld [smem:$0x3FAF]  }
0x2b: {  	s6 =	sld [smem:$0x3FB0]  }
0x2c: {  	s7 =	sld [smem:$0x3FB1]  }
0x2d: {  	s3 =	simm.s32 $0x108;
	s8 =	sld [smem:$0x3FB2]  }
0x2e: {  	s3 =	simm.s32 @!p0 $0x1082;
	s9 =	sld [smem:$0x3FB3]  }
0x2f: {  	lr =	sadd.s32 s0, s3;
	s0 =	sld [smem:$0x3FAA]  }
0x30: {  	s3 =	sld [smem:$0x3FAD]  }
0x31: {  	[smem:$0x3FB6] =	sst s10  }
0x32: {  	s10 =	sld [smem:$0x3FB4];
	_ =	sdelay $0x3  }
0x33: {  	p0 =	seq.s32 s10, $0x1;
	s10 =	sld [smem:$0x3FB6];
	_ =	sdelay $0x3  }
0x34: {  	[smem:$0x3FB6] =	sst s10  }
0x35: {  	s10 =	sld [smem:$0x3FB5];
	_ =	sdelay $0x3  }
0x36: {  	p1 =	seq.s32 s10, $0x1;
	s10 =	sld [smem:$0x3FB6];
	_ =	sdelay $0x3  }
0x37: {  	[smem:$0x3FB6] =	sst s10  }
0x38: {  	s10 =	sld [smem:$0x3FB7]  }
0x39: {  	_ = 	snop;
	(pc) =	sbr.ind lr, $3  }
0x3a: {  	_ = 	snop  }
0x3b: {  	_ = 	snop  }
0x3c: {  	p2 =	seq.s32 s10, $0x1;
	s10 =	sld [smem:$0x3FB6]  }
0x3d: {  	_ =	shalt  }
0x3e: {  	_ =	shalt  }
0x3f: {  	_ =	shalt  }
0x40: {  	_ =	shalt  }
0x41: {  	_ =	shalt  }
0x42: {  	_ =	shalt  }
0x43: {  	_ =	shalt  }
0x44: {  	_ =	shalt  }
0x45: {  	_ =	shalt  }
0x46: {  	_ =	shalt  }
0x47: {  	_ =	shalt  }
0x48: {  	_ =	shalt  }
0x49: {  	_ =	shalt  }
0x4a: {  	_ =	shalt  }
0x4b: {  	_ =	shalt  }
0x4c: {  	_ =	shalt  }
0x4d: {  	_ =	shalt  }
0x4e: {  	_ =	shalt  }
0x4f: {  	_ =	shalt  }
0x50: {  	_ =	shalt  }
0x51: {  	_ =	shalt  }
0x52: {  	_ =	shalt  }
0x53: {  	_ =	shalt  }
0x54: {  	_ =	shalt  }
0x55: {  	_ =	shalt  }
0x56: {  	_ =	shalt  }
0x57: {  	_ =	shalt  }
0x58: {  	_ =	shalt  }
0x59: {  	_ =	shalt  }
0x5a: {  	_ =	shalt  }
0x5b: {  	_ =	shalt  }
0x5c: {  	_ =	shalt  }
0x5d: {  	_ =	shalt  }
0x5e: {  	_ =	shalt  }
0x5f: {  	_ =	shalt  }
0x60: {  	_ =	shalt  }
0x61: {  	_ =	shalt  }
0x62: {  	_ =	shalt  }
0x63: {  	_ =	shalt  }
0x64: {  	_ =	shalt  }
0x65: {  	_ =	shalt  }
0x66: {  	_ =	shalt  }
0x67: {  	_ =	shalt  }
0x68: {  	_ =	shalt  }
0x69: {  	_ =	shalt  }
0x6a: {  	_ =	shalt  }
0x6b: {  	_ =	shalt  }
0x6c: {  	_ =	shalt  }
0x6d: {  	_ =	shalt  }
0x6e: {  	_ =	shalt  }
0x6f: {  	_ =	shalt  }
0x70: {  	_ =	shalt  }
0x71: {  	_ =	shalt  }
0x72: {  	_ =	shalt  }
0x73: {  	_ =	shalt  }
0x74: {  	_ =	shalt  }
0x75: {  	_ =	shalt  }
0x76: {  	_ =	shalt  }
0x77: {  	_ =	shalt  }
0x78: {  	_ =	shalt  }
0x79: {  	_ =	shalt  }
0x7a: {  	_ =	shalt  }
0x7b: {  	_ =	shalt  }
0x7c: {  	_ =	shalt  }
0x7d: {  	_ =	shalt  }
0x7e: {  	_ =	shalt  }
0x7f: {  	_ =	shalt  }
0x80: {  	_ =	shalt  }
0x81: {  	_ =	shalt  }
0x82: {  	_ =	shalt  }
0x83: {  	_ =	shalt  }
0x84: {  	_ =	shalt  }
0x85: {  	_ =	shalt  }
0x86: {  	_ =	shalt  }
0x87: {  	_ =	shalt  }
.Lfunc_end0:
.L_simem_size_0:
called_computation.2_lowered:
.L_overlay_start_0:
0x88: {  	s2 =	sld [smem:$0x3FD9]  }
0x89: {  	s3 =	sld [smem:$0x3FFE];
	_ =	sdelay $0x1  }
0x8a: {  	s1 =	srdreg.scid  }
0x8b: {  	s0 =	sand.u32 $0x1, s1  }
0x8c: {  	s17 =	sshll.u32 s0, $0xA;
	s2 =	sadd.s32 s3, s2  }
0x8d: {  	s2 =	sadd.s32 s2, s17  }
0x8e: {  	[smem:$0x3FC2] =	sst s2  }
0x8f: {  	_ = 	snop  }
0x90: {  	s2 =	sld [smem:$0x3FD0];
	(tm) =	ssettm $0x1  }
0x91: {  	s18 =	sld [smem:$0x3FFB];
	_ =	sdelay $0x3  }
0x92: {  	_ =	strace s18  }
0x93: {  	s3 =	sld [smem:$0x3FFC];
	_ =	sdelay $0x3  }
0x94: {  	_ =	strace s3  }
0x95: {  	s3 =	sld [smem:$0x3FFD];
	_ =	sdelay $0x3  }
0x96: {  	_ =	strace s3  }
0x97: {  	_ =	strace $0x8FFFFFFF  }
0x98: {  	s19 =	sld [smem:$0x3FDB];
	_ =	sdelay $0x1  }
0x99: {  	s4 =	simm.s32 $_scs_section_size  }
0x9a: {  	s5 =	simm.s32 $_size__tile_overlayer_lowered;
	s6 =	simm.s32 $_tile_overlayer_lowered  }
0x9b: {  	s22 =	simm.s32 $0x1BFF;
	s21 =	sshll.u32 s6, $0x1;
	s3 =	sadd.s32 s4, s19  }
0x9c: {  	s7 =	simm.s32 $0x0;
	s20 =	sshll.u32 s5, $0x1;
	s5 =	sadd.s32 s21, s3  }
0x9d: {  	[timem:s7], [sflag:s22] =	dma.local [hbm:s5], s20  }
0x9e: {  	_ =	swait.ge [sflag:s22], s20  }
0x9f: {  	s4 =	ssub.s32 $0x0, s20;
	[sflag:s22] =	ssyncset.done $0x0  }
0xa0: {  	[sflag:s22] =	ssyncadd.s32 s4;
	_ =	sdelay $0x1  }
0xa1: {  	s23 =	simm.s32 $0x1B8B  }
0xa2: {  	_ =	swait.ge [sflag:s23], $0x1  }
0xa3: {  	[sflag:s23] =	ssyncset.done $0x0  }
0xa4: {  	s25 =	simm.s32 $0x1B8E;
	s24 =	sld [smem:$0x3FFE];
	[sflag:s23] =	ssyncadd.s32 $0xFFFFFFFF  }
0xa5: {  	s26 =	simm.s32 $execute0_lowered;
	[smem:$0x3FD2] =	sst s25  }
0xa6: {  	s5 =	sshll.u32 s26, $0x1;
	_ =	strace $0x8000004C;
	[dreg:$0x1] =	wrdreg $0xFFFFFFFF  }
0xa7: {  	s28 =	simm.s32 $_size_execute0_lowered;
	s3 =	sadd.s32 s3, s5;
	[dreg:$0x0] =	wrdreg $0x0  }
0xa8: {  	s5 =	sshll.u32 s28, $0x1;
	[dreg:$0x2] =	wrdreg s3  }
0xa9: {  	[dreg:$0x3] =	wrdreg s5  }
0xaa: {  	[dreg:$0x4] =	wrdreg $0xC0  }
0xab: {  	_ =	task [dreg:s7], $0x5FFFF  }
0xac: {  	[dreg:$0x1] =	wrdreg $0xFFFFFFFF  }
0xad: {  	[dreg:$0x0] =	wrdreg $0x60  }
0xae: {  	[dreg:$0x2] =	wrdreg s24  }
0xaf: {  	[dreg:$0x3] =	wrdreg s2  }
0xb0: {  	[dreg:$0x4] =	wrdreg $0xA8000  }
0xb1: {  	[dreg:$0x5] =	wrdreg $0x9  }
0xb2: {  	_ =	task.clear_ibuf [dreg:s7], $0x6FFFF;
	_ =	strace $0x9000004C  }
0xb3: {  	s29 =	simm.s32 $0x9;
	_ =	strace $0x8000004E  }
0xb4: {  	_ =	swait.ge [sflag:s29], $0x1  }
0xb5: {  	[sflag:s29] =	ssyncadd.s32 $0xFFFFFFFF  }
0xb6: {  	_ =	strace $0x9000004E  }
0xb7: {  	_ =	sfence  }
0xb8: {  	s30 =	sld [smem:$0x0];
	_ =	sdelay $0x2  }
0xb9: {  	s31 =	sshll.u32 s1, $0xD;
	s1 =	sshrl.u32 s1, $0x2  }
0xba: {  	s3 =	sand.u32 $0x4000, s31;
	s1 =	sadd.s32 s1, s30  }
0xbb: {  	s0 =	sor.u32 s3, s0;
	s1 =	sshll.u32 s1, $0x11  }
0xbc: {  	s0 =	sor.u32 s1, s0  }
0xbd: {  	s0 =	sadd.s32 $0x8F2B, s0  }
0xbe: {  	[sflag:s0] =	ssyncadd.remote.s32 $0x1  }
0xbf: {  	_ =	sfence.sel $0xFFFF  }
0xc0: {  	[dreg:$0x0] =	wrdreg $0xFFFFFFFF;
	(pc) =	sbr.abs _section_cstart, $3  }
0xc1: {  	[dreg:$0x1] =	wrdreg $0xFFFFFFFF  }
0xc2: {  	_ =	task.clear_ibuf [dreg:s7], $0x2FFFF;
	_ =	strace $0x9FFFFFFF  }
0xc3: {  	(tm) =	ssettm $0x7FFFFFFF  }
tec
execute0_lowered:
.L_overlay_start_1:
0x0: {  	(tag) =	ssettag $0x1  }
0x1: {  	s5 =	rddreg [dreg:$0x0]  }
0x2: {  	s9 =	rddreg [dreg:$0x1]  }
0x3: {  	s2 =	rddreg [dreg:$0x2]  }
0x4: {  	s0 =	rddreg [dreg:$0x3]  }
0x5: {  	s4 =	srdreg.scid;
	s1 =	stileid.u32  }
0x6: {  	s3 =	simm.s32 $0x0;
	s16 =	simm.s32 $0x80;
	s17 =	simm.s32 $0x2800  }
0x7: {  	s18 =	simm.s32 $0x6800;
	s19 =	simm.s32 $0x1;
	s20 =	simm.s32 $0x2  }
0x8: {  	s21 =	simm.s32 $0x1380;
	s22 =	simm.s32 $0x2700;
	s23 =	simm.s32 $0x2780  }
0x9: {  	s6 =	sand.u32 $0x1, s4;
	s7 =	smul.u32 $0x14000, s1;
	[smem:$0x7FF] =	sst s3  }
0xa: {  	s4 =	sadd.s32 $0xCC00, s5;
	s10 =	sadd.s32 $0x2C00, s5;
	s11 =	smul.u32 $0x50000, s1  }
0xb: {  	s29 =	sshll.u32 s1, $0x6;
	s8 =	smul.u32 $0x140000, s6;
	_ =	strace $0x8000004D  }
0xc: {  	s12 =	sshll.u32 s6, $0x4;
	s24 =	ssub.s32 $0x2, s6;
	s6 =	sor.u32 $0x1C03, s29  }
0xd: {  	s25 =	sor.u32 s1, s12;
	s26 =	sshrl.u32 s24, $0x1;
	s11 =	sshrl.u32 s11, $0x2  }
0xe: {  	s28 =	sshrl.u32 s7, $0x3;
	s8 =	sadd.s32 s7, s8;
	s12 =	smul.u32 $0x2800, s25  }
0xf: {  	s14 =	ssub.s32 s24, s26;
	s30 =	smul.u32 $0x500, s25;
	s8 =	sshrl.u32 s8, $0x3  }
0x10: {  	s15 =	sadd.s32 s11, s2;
	s24 =	simm.s32 $0x0;
	s13 =	sadd.s32 s8, s5  }
0x11: {  	s31 =	sshrl.u32 s12, $0x3;
	s5 =	sadd.s32 s4, s28;
	s7 =	sadd.s32 s9, s30  }
0x12: {  	s8 =	sadd.s32 s10, s30;
	s12 =	smax.u32 s14, $0x1;
	s11 =	sadd.s32 $0x280, s31  }
0x13: {  	s14 =	simm.s32 $0x3;
	s9 =	sadd.s32 s9, s11;
	s10 =	sadd.s32 s10, s11  }
0x14: {  	s11 =	sadd.s32 $0x34C00, s13;
	s13 =	sshrl.u32 s15, $0x3;
	s15 =	simm.s32 $0x1400  }
.LBB2_1:
0x15: {  	[spmem:s13], [sflag:s6] =	dma.local [hbm:s5], $0x2800  }
0x16: {  	_ =	swait.ge [sflag:s14], $0x2800  }
0x17: {  	[sflag:s14] =	ssyncset.done $0x0  }
0x18: {  	[sflag:s14] =	ssyncadd.s32 $0xFFFFD800  }
0x19: {  	[bflag:$0x0] =	sbarrier.arrive $0xFFFF  }
0x1a: {  	[tilespmem:s3], [sflag:$0x3] =	stream.linear.gather [hbm4b:s7+s3], $0x1400, $0x38;
	[tilespmem:$0x1E800] =	vst v63  }
0x1b: {  	_ =	swait.ge [sflag:s14], $0x1400  }
0x1c: {  	[sflag:s14] =	ssyncset.done $0x0  }
0x1d: {  	[sflag:s14] =	ssyncadd.s32 $0xFFFFEC00  }
0x1e: {  	[tilespmem:s15], [sflag:$0x3] =	stream.linear.gather [hbm4b:s8+s3], $0x1400, $0x38;
	[tilespmem:$0x1E800] =	vst v63  }
0x1f: {  	_ =	swait.ge [sflag:s14], $0x1400  }
0x20: {  	[sflag:s14] =	ssyncset.done $0x0  }
0x21: {  	[sflag:s14] =	ssyncadd.s32 $0xFFFFEC00  }
0x22: {  	[tilespmem:s17], [sflag:$0x1] =	stream.indirect.gather [hbm4b:s4+s16], $0x80, s3, s16, $0xb8;
	[tilespmem:$0x1E800] =	vst v63  }
0x23: {  	s25 =	simm.s32 $0x80  }
0x24: {  	[tilespmem:s18], [sflag:$0x2] =	stream.indirect.gather [hbm4b:s4+s16], $0x80, s25, s16, $0xb8;
	[tilespmem:$0x1E800] =	vst v63  }
0x25: {  	_ =	swait.ge [sflag:s19], $0x4000  }
0x26: {  	[sflag:s19] =	ssyncset.done $0x0  }
0x27: {  	s29 =	simm.s32 $0x1400;
	[sflag:s19] =	ssyncadd.s32 $0xFFFFC000  }
0x28: {  	[spmem:s2] =	stream.indirect.scatter.add.f32 [tilespmem:s17], [sflag:$0x3], $0x80, s29, s16, $0xb8;
	[tilespmem:$0x1E800] =	vst v63  }
0x29: {  	_ =	swait.ge [sflag:s14], $0x4000  }
0x2a: {  	[sflag:s14] =	ssyncset.done $0x0  }
0x2b: {  	s30 =	simm.s32 $0x100;
	[sflag:s14] =	ssyncadd.s32 $0xFFFFC000  }
0x2c: {  	[tilespmem:s17], [sflag:$0x1] =	stream.indirect.gather [hbm4b:s4+s16], $0x80, s30, s16, $0xb8;
	[tilespmem:$0x1E800] =	vst v63  }
0x2d: {  	_ =	swait.ge [sflag:s20], $0x4000  }
0x2e: {  	[sflag:s20] =	ssyncset.done $0x0  }
0x2f: {  	s31 =	simm.s32 $0x1480;
	[sflag:s20] =	ssyncadd.s32 $0xFFFFC000  }
0x30: {  	[spmem:s2] =	stream.indirect.scatter.add.f32 [tilespmem:s18], [sflag:$0x3], $0x80, s31, s16, $0xb8;
	[tilespmem:$0x1E800] =	vst v63  }
0x31: {  	_ =	swait.ge [sflag:s14], $0x4000  }
0x32: {  	s26 =	simm.s32 $0x800;
	s25 =	simm.s32 $0x100;
	[sflag:s14] =	ssyncset.done $0x0  }
.LBB2_2:
0x33: {  	s28 =	sadd.s32 $0x80, s25  }
0x34: {  	[sflag:s14] =	ssyncadd.s32 $0xFFFFC000;
	s29 =	smov.u32 s26;
	s30 =	sadd.s32 $0x400, s26  }
0x35: {  	[tilespmem:s18], [sflag:$0x2] =	stream.indirect.gather [hbm4b:s4+s16], $0x80, s28, s16, $0xb8;
	[tilespmem:$0x1E800] =	vst v63  }
0x36: {  	p0 =	sne.s32 s26, $0x4800;
	_ =	swait.ge [sflag:s19], $0x4000  }
0x37: {  	[sflag:s19] =	ssyncset.done $0x0  }
0x38: {  	s26 =	sadd.s32 $0x1400, s25;
	[sflag:s19] =	ssyncadd.s32 $0xFFFFC000  }
0x39: {  	[spmem:s2] =	stream.indirect.scatter.add.f32 [tilespmem:s17], [sflag:$0x3], $0x80, s26, s16, $0xb8;
	[tilespmem:$0x1E800] =	vst v63  }
0x3a: {  	_ =	swait.ge [sflag:s14], $0x4000  }
0x3b: {  	[sflag:s14] =	ssyncset.done $0x0  }
0x3c: {  	s26 =	sadd.s32 $0x100, s25;
	[sflag:s14] =	ssyncadd.s32 $0xFFFFC000  }
0x3d: {  	[tilespmem:s17], [sflag:$0x1] =	stream.indirect.gather [hbm4b:s4+s16], $0x80, s26, s16, $0xb8;
	[tilespmem:$0x1E800] =	vst v63  }
0x3e: {  	_ =	swait.ge [sflag:s20], $0x4000  }
.Ltmp0:
0x3f: {  	[sflag:s20] =	ssyncset.done $0x0;
	(pc) =	sbr.rel @p0 .LBB2_2-.Ltmp0, $4  }
0x40: {  	s25 =	sadd.s32 $0x1480, s25;
	[sflag:s20] =	ssyncadd.s32 $0xFFFFC000  }
0x41: {  	[spmem:s2] =	stream.indirect.scatter.add.f32 [tilespmem:s18], [sflag:$0x3], $0x80, s25, s16, $0xb8;
	[tilespmem:$0x1E800] =	vst v63  }
0x42: {  	_ =	swait.ge [sflag:s14], $0x4000  }
0x43: {  	s26 =	smov.u32 s30;
	s25 =	sshra.s32 s29, $0x2;
	[sflag:s14] =	ssyncset.done $0x0  }
0x44: {  	s26 =	sadd.s32 $0x80, s25;
	[sflag:s14] =	ssyncadd.s32 $0xFFFFC000  }
0x45: {  	[tilespmem:s18], [sflag:$0x2] =	stream.indirect.gather [hbm4b:s4+s16], $0x80, s26, s16, $0xb8;
	[tilespmem:$0x1E800] =	vst v63  }
0x46: {  	_ =	swait.ge [sflag:s19], $0x4000  }
0x47: {  	[sflag:s19] =	ssyncset.done $0x0  }
0x48: {  	s29 =	sadd.s32 $0x1400, s25;
	[sflag:s19] =	ssyncadd.s32 $0xFFFFC000  }
0x49: {  	[spmem:s2] =	stream.indirect.scatter.add.f32 [tilespmem:s17], [sflag:$0x3], $0x80, s29, s16, $0xb8;
	[tilespmem:$0x1E800] =	vst v63  }
0x4a: {  	_ =	swait.ge [sflag:s14], $0x4000  }
0x4b: {  	[sflag:s14] =	ssyncset.done $0x0  }
0x4c: {  	s30 =	sadd.s32 $0x100, s25;
	[sflag:s14] =	ssyncadd.s32 $0xFFFFC000  }
0x4d: {  	[tilespmem:s17], [sflag:$0x1] =	stream.indirect.gather [hbm4b:s4+s16], $0x80, s30, s16, $0xb8;
	[tilespmem:$0x1E800] =	vst v63  }
0x4e: {  	_ =	swait.ge [sflag:s20], $0x4000  }
0x4f: {  	[sflag:s20] =	ssyncset.done $0x0  }
0x50: {  	s31 =	sadd.s32 $0x1480, s25;
	[sflag:s20] =	ssyncadd.s32 $0xFFFFC000  }
0x51: {  	[spmem:s2] =	stream.indirect.scatter.add.f32 [tilespmem:s18], [sflag:$0x3], $0x80, s31, s16, $0xb8;
	[tilespmem:$0x1E800] =	vst v63  }
0x52: {  	_ =	swait.ge [sflag:s14], $0x4000  }
0x53: {  	[sflag:s14] =	ssyncset.done $0x0  }
0x54: {  	[sflag:s14] =	ssyncadd.s32 $0xFFFFC000  }
0x55: {  	[tilespmem:s18], [sflag:$0x2] =	stream.indirect.gather [hbm4b:s4+s16], $0x80, s21, s16, $0xb8;
	[tilespmem:$0x1E800] =	vst v63  }
0x56: {  	_ =	swait.ge [sflag:s19], $0x4000  }
0x57: {  	[sflag:s19] =	ssyncset.done $0x0  }
0x58: {  	[sflag:s19] =	ssyncadd.s32 $0xFFFFC000  }
0x59: {  	[spmem:s2] =	stream.indirect.scatter.add.f32 [tilespmem:s17], [sflag:$0x3], $0x80, s22, s16, $0xb8;
	[tilespmem:$0x1E800] =	vst v63  }
0x5a: {  	_ =	swait.ge [sflag:s14], $0x4000  }
0x5b: {  	[sflag:s14] =	ssyncset.done $0x0  }
0x5c: {  	[sflag:s14] =	ssyncadd.s32 $0xFFFFC000  }
0x5d: {  	_ =	swait.ge [sflag:s20], $0x4000  }
0x5e: {  	[sflag:s20] =	ssyncset.done $0x0  }
0x5f: {  	[sflag:s20] =	ssyncadd.s32 $0xFFFFC000  }
0x60: {  	[spmem:s2] =	stream.indirect.scatter.add.f32 [tilespmem:s18], [sflag:$0x3], $0x80, s23, s16, $0xb8;
	[tilespmem:$0x1E800] =	vst v63  }
0x61: {  	_ =	swait.ge [sflag:s14], $0x4000  }
0x62: {  	[sflag:s14] =	ssyncset.done $0x0  }
0x63: {  	s26 =	simm.s32 $0x0;
	[sflag:s14] =	ssyncadd.s32 $0xFFFFC000  }
0x64: {  	[tilespmem:s26], [sflag:$0x3] =	stream.linear.gather [hbm4b:s9+s26], $0x1400, $0x38;
	[tilespmem:$0x1E800] =	vst v63  }
0x65: {  	_ =	swait.ge [sflag:s14], $0x1400  }
0x66: {  	[sflag:s14] =	ssyncset.done $0x0  }
0x67: {  	[sflag:s14] =	ssyncadd.s32 $0xFFFFEC00  }
0x68: {  	[tilespmem:s15], [sflag:$0x3] =	stream.linear.gather [hbm4b:s10+s26], $0x1400, $0x38;
	[tilespmem:$0x1E800] =	vst v63  }
0x69: {  	_ =	swait.ge [sflag:s14], $0x1400  }
0x6a: {  	[sflag:s14] =	ssyncset.done $0x0  }
0x6b: {  	[sflag:s14] =	ssyncadd.s32 $0xFFFFEC00  }
0x6c: {  	[tilespmem:s17], [sflag:$0x1] =	stream.indirect.gather [hbm4b:s4+s16], $0x80, s26, s16, $0xb8;
	[tilespmem:$0x1E800] =	vst v63  }
0x6d: {  	s28 =	simm.s32 $0x80  }
0x6e: {  	[tilespmem:s18], [sflag:$0x2] =	stream.indirect.gather [hbm4b:s4+s16], $0x80, s28, s16, $0xb8;
	[tilespmem:$0x1E800] =	vst v63  }
0x6f: {  	_ =	swait.ge [sflag:s19], $0x4000  }
0x70: {  	[sflag:s19] =	ssyncset.done $0x0  }
0x71: {  	s29 =	simm.s32 $0x1400;
	[sflag:s19] =	ssyncadd.s32 $0xFFFFC000  }
0x72: {  	[spmem:s2] =	stream.indirect.scatter.add.f32 [tilespmem:s17], [sflag:$0x3], $0x80, s29, s16, $0xb8;
	[tilespmem:$0x1E800] =	vst v63  }
0x73: {  	_ =	swait.ge [sflag:s14], $0x4000  }
0x74: {  	[sflag:s14] =	ssyncset.done $0x0  }
0x75: {  	s30 =	simm.s32 $0x100;
	[sflag:s14] =	ssyncadd.s32 $0xFFFFC000  }
0x76: {  	[tilespmem:s17], [sflag:$0x1] =	stream.indirect.gather [hbm4b:s4+s16], $0x80, s30, s16, $0xb8;
	[tilespmem:$0x1E800] =	vst v63  }
0x77: {  	_ =	swait.ge [sflag:s20], $0x4000  }
0x78: {  	[sflag:s20] =	ssyncset.done $0x0  }
0x79: {  	s31 =	simm.s32 $0x1480;
	[sflag:s20] =	ssyncadd.s32 $0xFFFFC000  }
0x7a: {  	[spmem:s2] =	stream.indirect.scatter.add.f32 [tilespmem:s18], [sflag:$0x3], $0x80, s31, s16, $0xb8;
	[tilespmem:$0x1E800] =	vst v63  }
0x7b: {  	_ =	swait.ge [sflag:s14], $0x4000  }
0x7c: {  	s25 =	simm.s32 $0x100;
	s26 =	simm.s32 $0x800;
	[sflag:s14] =	ssyncset.done $0x0  }
.LBB2_4:
0x7d: {  	s28 =	sadd.s32 $0x80, s25  }
0x7e: {  	[sflag:s14] =	ssyncadd.s32 $0xFFFFC000;
	s29 =	smov.u32 s26;
	s30 =	sadd.s32 $0x400, s26  }
0x7f: {  	[tilespmem:s18], [sflag:$0x2] =	stream.indirect.gather [hbm4b:s4+s16], $0x80, s28, s16, $0xb8;
	[tilespmem:$0x1E800] =	vst v63  }
0x80: {  	p0 =	sne.s32 s26, $0x4800;
	_ =	swait.ge [sflag:s19], $0x4000  }
0x81: {  	[sflag:s19] =	ssyncset.done $0x0  }
0x82: {  	s26 =	sadd.s32 $0x1400, s25;
	[sflag:s19] =	ssyncadd.s32 $0xFFFFC000  }
0x83: {  	[spmem:s2] =	stream.indirect.scatter.add.f32 [tilespmem:s17], [sflag:$0x3], $0x80, s26, s16, $0xb8;
	[tilespmem:$0x1E800] =	vst v63  }
0x84: {  	_ =	swait.ge [sflag:s14], $0x4000  }
0x85: {  	[sflag:s14] =	ssyncset.done $0x0  }
0x86: {  	s26 =	sadd.s32 $0x100, s25;
	[sflag:s14] =	ssyncadd.s32 $0xFFFFC000  }
0x87: {  	[tilespmem:s17], [sflag:$0x1] =	stream.indirect.gather [hbm4b:s4+s16], $0x80, s26, s16, $0xb8;
	[tilespmem:$0x1E800] =	vst v63  }
0x88: {  	_ =	swait.ge [sflag:s20], $0x4000  }
.Ltmp1:
0x89: {  	[sflag:s20] =	ssyncset.done $0x0;
	(pc) =	sbr.rel @p0 .LBB2_4-.Ltmp1, $4  }
0x8a: {  	s25 =	sadd.s32 $0x1480, s25;
	[sflag:s20] =	ssyncadd.s32 $0xFFFFC000  }
0x8b: {  	[spmem:s2] =	stream.indirect.scatter.add.f32 [tilespmem:s18], [sflag:$0x3], $0x80, s25, s16, $0xb8;
	[tilespmem:$0x1E800] =	vst v63  }
0x8c: {  	_ =	swait.ge [sflag:s14], $0x4000  }
0x8d: {  	s26 =	smov.u32 s30;
	s25 =	sshra.s32 s29, $0x2;
	[sflag:s14] =	ssyncset.done $0x0  }
0x8e: {  	s26 =	sadd.s32 $0x80, s25;
	[sflag:s14] =	ssyncadd.s32 $0xFFFFC000  }
0x8f: {  	[tilespmem:s18], [sflag:$0x2] =	stream.indirect.gather [hbm4b:s4+s16], $0x80, s26, s16, $0xb8;
	[tilespmem:$0x1E800] =	vst v63  }
0x90: {  	_ =	swait.ge [sflag:s19], $0x4000  }
0x91: {  	[sflag:s19] =	ssyncset.done $0x0  }
0x92: {  	s29 =	sadd.s32 $0x1400, s25;
	[sflag:s19] =	ssyncadd.s32 $0xFFFFC000  }
0x93: {  	[spmem:s2] =	stream.indirect.scatter.add.f32 [tilespmem:s17], [sflag:$0x3], $0x80, s29, s16, $0xb8;
	[tilespmem:$0x1E800] =	vst v63  }
0x94: {  	_ =	swait.ge [sflag:s14], $0x4000  }
0x95: {  	[sflag:s14] =	ssyncset.done $0x0  }
0x96: {  	s30 =	sadd.s32 $0x100, s25;
	[sflag:s14] =	ssyncadd.s32 $0xFFFFC000  }
0x97: {  	[tilespmem:s17], [sflag:$0x1] =	stream.indirect.gather [hbm4b:s4+s16], $0x80, s30, s16, $0xb8;
	[tilespmem:$0x1E800] =	vst v63  }
0x98: {  	_ =	swait.ge [sflag:s20], $0x4000  }
0x99: {  	[sflag:s20] =	ssyncset.done $0x0  }
0x9a: {  	s31 =	sadd.s32 $0x1480, s25;
	[sflag:s20] =	ssyncadd.s32 $0xFFFFC000  }
0x9b: {  	[spmem:s2] =	stream.indirect.scatter.add.f32 [tilespmem:s18], [sflag:$0x3], $0x80, s31, s16, $0xb8;
	[tilespmem:$0x1E800] =	vst v63  }
0x9c: {  	_ =	swait.ge [sflag:s14], $0x4000  }
0x9d: {  	[sflag:s14] =	ssyncset.done $0x0  }
0x9e: {  	[sflag:s14] =	ssyncadd.s32 $0xFFFFC000  }
0x9f: {  	[tilespmem:s18], [sflag:$0x2] =	stream.indirect.gather [hbm4b:s4+s16], $0x80, s21, s16, $0xb8;
	[tilespmem:$0x1E800] =	vst v63  }
0xa0: {  	_ =	swait.ge [sflag:s19], $0x4000  }
0xa1: {  	[sflag:s19] =	ssyncset.done $0x0  }
0xa2: {  	[sflag:s19] =	ssyncadd.s32 $0xFFFFC000  }
0xa3: {  	[spmem:s2] =	stream.indirect.scatter.add.f32 [tilespmem:s17], [sflag:$0x3], $0x80, s22, s16, $0xb8;
	[tilespmem:$0x1E800] =	vst v63  }
0xa4: {  	_ =	swait.ge [sflag:s14], $0x4000  }
0xa5: {  	[sflag:s14] =	ssyncset.done $0x0  }
0xa6: {  	[sflag:s14] =	ssyncadd.s32 $0xFFFFC000  }
0xa7: {  	_ =	swait.ge [sflag:s20], $0x4000  }
0xa8: {  	[sflag:s20] =	ssyncset.done $0x0  }
0xa9: {  	[sflag:s20] =	ssyncadd.s32 $0xFFFFC000  }
0xaa: {  	[spmem:s2] =	stream.indirect.scatter.add.f32 [tilespmem:s18], [sflag:$0x3], $0x80, s23, s16, $0xb8;
	[tilespmem:$0x1E800] =	vst v63  }
0xab: {  	_ =	swait.ge [sflag:s14], $0x4000  }
0xac: {  	s24 =	sadd.s32 $0x1, s24;
	[sflag:s14] =	ssyncset.done $0x0  }
0xad: {  	p0 =	sne.s32 s24, s12;
	[sflag:s14] =	ssyncadd.s32 $0xFFFFC000  }
.Ltmp2:
0xae: {  	[bflag:$0x0] =	sbarrier.arrive $0xFFFF;
	(pc) =	sbr.rel @p0 .LBB2_1-.Ltmp2, $4  }
0xaf: {  	[hbm:s11], [sflag:s6] =	dma.local [spmem:s13], $0x2800  }
0xb0: {  	_ =	swait.ge [sflag:s14], $0x2800  }
0xb1: {  	[sflag:s14] =	ssyncset.done $0x0  }
0xb2: {  	[sflag:s14] =	ssyncadd.s32 $0xFFFFD800  }
0xb3: {  	_ =	sfence.sel $0x180000  }
0xb4: {  	[bflag:$0x0] =	sbarrier.arrive $0xFFFF  }
0xb5: {  	p0 =	sne.s32 s1, $0x0;
	_ =	strace $0x9000004D  }
0xb6: {  	s0 =	sadd.s32 @!p0 $0x100000, s0;
	[bflag:$0x2] =	sbarrier.arrive $0xFFFF  }
0xb7: {  	[sflag:s0] =	ssyncadd.tile.s32 @!p0 $0x1;
	_ =	shalt  }
.Lfunc_end2:
_tile_overlayer_lowered:
.L_overlay_start_2:
0xb8: {  	(tag) =	ssettag $0x2  }
0xb9: {  	s0 =	rddreg [dreg:$0x0];
	s2 =	stileid.u32  }
0xba: {  	s1 =	rddreg [dreg:$0x1];
	p0 =	sne.s32 s2, $0x0  }
0xbb: {  	s3 =	rddreg [dreg:$0x2];
	[bflag:$0x3] =	sbarrier.arrive $0xFFFF;
	s2 =	simm.s32 @!p0 $0x1C03  }
0xbc: {  	[timem:s3], [sflag:s2] =	dma.local @!p0 [hbm:s0], s1  }
0xbd: {  	s0 =	simm.s32 @!p0 $0x3  }
0xbe: {  	_ =	swait.ge @!p0 [sflag:s0], s1  }
0xbf: {  	s1 =	ssub.s32 @!p0 $0x0, s1;
	[sflag:s0] =	ssyncset.done @!p0 $0x0  }
0xc0: {  	[sflag:s0] =	ssyncadd.s32 @!p0 s1  }
0xc1: {  	[bflag:$0x3] =	sbarrier.arrive $0xFFFF  }
0xc2: {  	_ =	shalt  }

// kernel: kernel.8.cloned.1.call-start
scs
__scs_entry_jumppad:
0x0: {  	(pc) =	sbr.rel $0x88, $3  }
0x1: {  	(tag) =	ssettag $0x0;
	lr =	simm.s32 $0x1  }
0x2: {  	[smem:$0x3F9B] =	sst lr;
	_ =	strace $0xD0000000  }
0x3: {  	_ = 	snop  }
0x4: {  	_ = 	snop  }
0x5: {  	_ = 	snop  }
0x6: {  	_ = 	snop  }
0x7: {  	_ = 	snop  }
__scs_overlays_trampoline_lowered:
0x8: {  	[smem:$0x3FAA] =	sst s0  }
0x9: {  	[smem:$0x3FAB] =	sst s1  }
0xa: {  	[smem:$0x3FAC] =	sst s2  }
0xb: {  	[smem:$0x3FAD] =	sst s3  }
0xc: {  	[smem:$0x3FAE] =	sst s4  }
0xd: {  	[smem:$0x3FAF] =	sst s5  }
0xe: {  	[smem:$0x3FB0] =	sst s6  }
0xf: {  	[smem:$0x3FB1] =	sst s7  }
0x10: {  	[smem:$0x3FB2] =	sst s8  }
0x11: {  	[smem:$0x3FB3] =	sst s9;
	s0 =	simm.s32 @!p0 $0x0  }
0x12: {  	s1 =	sld [smem:$0x3F99];
	s0 =	simm.s32 @p0 $0x1  }
0x13: {  	[smem:$0x3FB4] =	sst s0;
	s0 =	simm.s32 @!p1 $0x0  }
0x14: {  	s2 =	sld [smem:$0x3F98];
	s0 =	simm.s32 @p1 $0x1  }
0x15: {  	[smem:$0x3FB5] =	sst s0;
	s0 =	simm.s32 @!p2 $0x0  }
0x16: {  	s3 =	sld [smem:$0x3FDB];
	s0 =	simm.s32 @p2 $0x1  }
0x17: {  	s4 =	simm.s32 $0x1BF5;
	[smem:$0x3FB7] =	sst s0  }
0x18: {  	s0 =	sld [smem:$0x3F9A];
	_ =	swait.ge [sflag:s4], $0x0  }
0x19: {  	s7 =	sld [smem:$0x3F9B]  }
0x1a: {  	s8 =	sadd.s32 $0xFFFFE003, lr  }
0x1b: {  	s9 =	sadd.s32 $0xFFFFFEF7, lr;
	s5 =	simm.s32 $0xFFFFFFFF;
	p2 =	slt.u32 s8, $0xFFFFF086  }
0x1c: {  	p1 =	slt.u32 s9, $0xF7A;
	s5 =	simm.s32 @!p2 $0x0  }
0x1d: {  	s5 =	simm.s32 @p1 $0x1;
	p0 =	seq.s32 s7, s2  }
0x1e: {  	s7 =	smul.u32 @!p0 $0xF7A, s2;
	p2 =	seq.s32 @!p0 s5, $0x0  }
0x1f: {  	s9 =	smul.u32 $0xF7A, s1;
	s8 =	simm.s32 @!p0 $0x1BF5;
	p2 =	por !p2, p0  }
0x20: {  	[sflag:s8] =	ssyncset.s32 @!p0 $0xFFFFF086;
	s6 =	sadd.s32 @!p0 s3, s7;
	s7 =	simm.s32 @!p0 $0x108  }
0x21: {  	s3 =	sadd.s32 s3, s9;
	s6 =	sadd.s32 @!p0 $0x88, s6;
	s7 =	simm.s32 @p2 $0x1082  }
0x22: {  	[simem:s7], [sflag:s8] =	dma.local @!p0 [hbm:s6], $0xF7A  }
0x23: {  	s9 =	sor.u32 $0xD0000000, s2;
	s6 =	simm.s32 $0x108;
	_ =	swait.ge @!p0 [sflag:s8], $0x0  }
0x24: {  	s3 =	sadd.s32 $0x88, s3;
	s6 =	simm.s32 @!p1 $0x1082;
	[sflag:s4] =	ssyncset.s32 $0xFFFFF086  }
0x25: {  	[simem:s6], [sflag:s4] =	dma.local [hbm:s3], $0xF7A  }
0x26: {  	[smem:$0x3F9B] =	sst s1;
	(tag) =	ssettag s2;
	_ =	strace s9  }
0x27: {  	s1 =	sld [smem:$0x3FAB]  }
0x28: {  	s2 =	sld [smem:$0x3FAC]  }
0x29: {  	s4 =	sld [smem:$0x3FAE]  }
0x2a: {  	p0 =	seq.s32 s5, $0x0;
	s5 =	sld [smem:$0x3FAF]  }
0x2b: {  	s6 =	sld [smem:$0x3FB0]  }
0x2c: {  	s7 =	sld [smem:$0x3FB1]  }
0x2d: {  	s3 =	simm.s32 $0x108;
	s8 =	sld [smem:$0x3FB2]  }
0x2e: {  	s3 =	simm.s32 @!p0 $0x1082;
	s9 =	sld [smem:$0x3FB3]  }
0x2f: {  	lr =	sadd.s32 s0, s3;
	s0 =	sld [smem:$0x3FAA]  }
0x30: {  	s3 =	sld [smem:$0x3FAD]  }
0x31: {  	[smem:$0x3FB6] =	sst s10  }
0x32: {  	s10 =	sld [smem:$0x3FB4];
	_ =	sdelay $0x3  }
0x33: {  	p0 =	seq.s32 s10, $0x1;
	s10 =	sld [smem:$0x3FB6];
	_ =	sdelay $0x3  }
0x34: {  	[smem:$0x3FB6] =	sst s10  }
0x35: {  	s10 =	sld [smem:$0x3FB5];
	_ =	sdelay $0x3  }
0x36: {  	p1 =	seq.s32 s10, $0x1;
	s10 =	sld [smem:$0x3FB6];
	_ =	sdelay $0x3  }
0x37: {  	[smem:$0x3FB6] =	sst s10  }
0x38: {  	s10 =	sld [smem:$0x3FB7]  }
0x39: {  	_ = 	snop;
	(pc) =	sbr.ind lr, $3  }
0x3a: {  	_ = 	snop  }
0x3b: {  	_ = 	snop  }
0x3c: {  	p2 =	seq.s32 s10, $0x1;
	s10 =	sld [smem:$0x3FB6]  }
0x3d: {  	_ =	shalt  }
0x3e: {  	_ =	shalt  }
0x3f: {  	_ =	shalt  }
0x40: {  	_ =	shalt  }
0x41: {  	_ =	shalt  }
0x42: {  	_ =	shalt  }
0x43: {  	_ =	shalt  }
0x44: {  	_ =	shalt  }
0x45: {  	_ =	shalt  }
0x46: {  	_ =	shalt  }
0x47: {  	_ =	shalt  }
0x48: {  	_ =	shalt  }
0x49: {  	_ =	shalt  }
0x4a: {  	_ =	shalt  }
0x4b: {  	_ =	shalt  }
0x4c: {  	_ =	shalt  }
0x4d: {  	_ =	shalt  }
0x4e: {  	_ =	shalt  }
0x4f: {  	_ =	shalt  }
0x50: {  	_ =	shalt  }
0x51: {  	_ =	shalt  }
0x52: {  	_ =	shalt  }
0x53: {  	_ =	shalt  }
0x54: {  	_ =	shalt  }
0x55: {  	_ =	shalt  }
0x56: {  	_ =	shalt  }
0x57: {  	_ =	shalt  }
0x58: {  	_ =	shalt  }
0x59: {  	_ =	shalt  }
0x5a: {  	_ =	shalt  }
0x5b: {  	_ =	shalt  }
0x5c: {  	_ =	shalt  }
0x5d: {  	_ =	shalt  }
0x5e: {  	_ =	shalt  }
0x5f: {  	_ =	shalt  }
0x60: {  	_ =	shalt  }
0x61: {  	_ =	shalt  }
0x62: {  	_ =	shalt  }
0x63: {  	_ =	shalt  }
0x64: {  	_ =	shalt  }
0x65: {  	_ =	shalt  }
0x66: {  	_ =	shalt  }
0x67: {  	_ =	shalt  }
0x68: {  	_ =	shalt  }
0x69: {  	_ =	shalt  }
0x6a: {  	_ =	shalt  }
0x6b: {  	_ =	shalt  }
0x6c: {  	_ =	shalt  }
0x6d: {  	_ =	shalt  }
0x6e: {  	_ =	shalt  }
0x6f: {  	_ =	shalt  }
0x70: {  	_ =	shalt  }
0x71: {  	_ =	shalt  }
0x72: {  	_ =	shalt  }
0x73: {  	_ =	shalt  }
0x74: {  	_ =	shalt  }
0x75: {  	_ =	shalt  }
0x76: {  	_ =	shalt  }
0x77: {  	_ =	shalt  }
0x78: {  	_ =	shalt  }
0x79: {  	_ =	shalt  }
0x7a: {  	_ =	shalt  }
0x7b: {  	_ =	shalt  }
0x7c: {  	_ =	shalt  }
0x7d: {  	_ =	shalt  }
0x7e: {  	_ =	shalt  }
0x7f: {  	_ =	shalt  }
0x80: {  	_ =	shalt  }
0x81: {  	_ =	shalt  }
0x82: {  	_ =	shalt  }
0x83: {  	_ =	shalt  }
0x84: {  	_ =	shalt  }
0x85: {  	_ =	shalt  }
0x86: {  	_ =	shalt  }
0x87: {  	_ =	shalt  }
.Lfunc_end0:
.L_simem_size_0:
called_computation_lowered:
.L_overlay_start_0:
0x88: {  	s2 =	sld [smem:$0x3FD9]  }
0x89: {  	s3 =	sld [smem:$0x3FFE];
	_ =	sdelay $0x1  }
0x8a: {  	s1 =	srdreg.scid  }
0x8b: {  	s0 =	sand.u32 $0x1, s1  }
0x8c: {  	s16 =	sshll.u32 s0, $0xA;
	s2 =	sadd.s32 s3, s2  }
0x8d: {  	s2 =	sadd.s32 s2, s16  }
0x8e: {  	[smem:$0x3FC2] =	sst s2  }
0x8f: {  	_ = 	snop  }
0x90: {  	(tm) =	ssettm $0x1  }
0x91: {  	s17 =	sld [smem:$0x3FFB];
	_ =	sdelay $0x3  }
0x92: {  	_ =	strace s17  }
0x93: {  	s2 =	sld [smem:$0x3FFC];
	_ =	sdelay $0x3  }
0x94: {  	_ =	strace s2  }
0x95: {  	s2 =	sld [smem:$0x3FFD];
	_ =	sdelay $0x3  }
0x96: {  	_ =	strace s2  }
0x97: {  	_ =	strace $0x8FFFFFFF  }
0x98: {  	s18 =	sld [smem:$0x3FDB];
	_ =	sdelay $0x1  }
0x99: {  	s19 =	simm.s32 $_scs_section_size  }
0x9a: {  	s4 =	simm.s32 $_size__tile_overlayer_lowered;
	s5 =	simm.s32 $_tile_overlayer_lowered  }
0x9b: {  	s22 =	simm.s32 $0x1BFF;
	s21 =	sshll.u32 s5, $0x1;
	s2 =	sadd.s32 s19, s18  }
0x9c: {  	s6 =	simm.s32 $0x0;
	s20 =	sshll.u32 s4, $0x1;
	s4 =	sadd.s32 s21, s2  }
0x9d: {  	[timem:s6], [sflag:s22] =	dma.local [hbm:s4], s20  }
0x9e: {  	_ =	swait.ge [sflag:s22], s20  }
0x9f: {  	s3 =	ssub.s32 $0x0, s20;
	[sflag:s22] =	ssyncset.done $0x0  }
0xa0: {  	[sflag:s22] =	ssyncadd.s32 s3;
	_ =	sdelay $0x1  }
0xa1: {  	s23 =	simm.s32 $0x1B8B  }
0xa2: {  	_ =	swait.ge [sflag:s23], $0x1  }
0xa3: {  	[sflag:s23] =	ssyncset.done $0x0  }
0xa4: {  	s25 =	simm.s32 $0x1B8E;
	s24 =	sld [smem:$0x3FFE];
	[sflag:s23] =	ssyncadd.s32 $0xFFFFFFFF  }
0xa5: {  	s26 =	simm.s32 $execute0_lowered;
	[smem:$0x3FD2] =	sst s25  }
0xa6: {  	s4 =	sshll.u32 s26, $0x1;
	_ =	strace $0x80000046;
	[dreg:$0x1] =	wrdreg $0xFFFFFFFF  }
0xa7: {  	s28 =	simm.s32 $_size_execute0_lowered;
	s2 =	sadd.s32 s2, s4;
	[dreg:$0x0] =	wrdreg $0x0  }
0xa8: {  	s4 =	sshll.u32 s28, $0x1;
	[dreg:$0x2] =	wrdreg s2  }
0xa9: {  	[dreg:$0x3] =	wrdreg s4  }
0xaa: {  	[dreg:$0x4] =	wrdreg $0xC0  }
0xab: {  	_ =	task [dreg:s6], $0x5FFFF  }
0xac: {  	[dreg:$0x1] =	wrdreg $0xFFFFFFFF  }
0xad: {  	[dreg:$0x0] =	wrdreg $0x60  }
0xae: {  	[dreg:$0x2] =	wrdreg s24  }
0xaf: {  	[dreg:$0x3] =	wrdreg $0x9  }
0xb0: {  	_ =	task.clear_ibuf [dreg:s6], $0x4FFFF;
	_ =	strace $0x90000046  }
0xb1: {  	s29 =	simm.s32 $0x9;
	_ =	strace $0x80000048  }
0xb2: {  	_ =	swait.ge [sflag:s29], $0x1  }
0xb3: {  	[sflag:s29] =	ssyncadd.s32 $0xFFFFFFFF  }
0xb4: {  	_ =	strace $0x90000048  }
0xb5: {  	_ =	sfence  }
0xb6: {  	s30 =	sld [smem:$0x0];
	_ =	sdelay $0x2  }
0xb7: {  	s31 =	sshll.u32 s1, $0xD;
	s1 =	sshrl.u32 s1, $0x2  }
0xb8: {  	s3 =	sand.u32 $0x4000, s31;
	s1 =	sadd.s32 s1, s30  }
0xb9: {  	s0 =	sor.u32 s3, s0;
	s1 =	sshll.u32 s1, $0x11  }
0xba: {  	s0 =	sor.u32 s1, s0  }
0xbb: {  	s0 =	sadd.s32 $0x8F2B, s0  }
0xbc: {  	[sflag:s0] =	ssyncadd.remote.s32 $0x1  }
0xbd: {  	_ =	sfence.sel $0xFFFF  }
0xbe: {  	[dreg:$0x0] =	wrdreg $0xFFFFFFFF;
	(pc) =	sbr.abs _section_cstart, $3  }
0xbf: {  	[dreg:$0x1] =	wrdreg $0xFFFFFFFF  }
0xc0: {  	_ =	task.clear_ibuf [dreg:s6], $0x2FFFF;
	_ =	strace $0x9FFFFFFF  }
0xc1: {  	(tm) =	ssettm $0x7FFFFFFF  }
tec
execute0_lowered:
.L_overlay_start_1:
0x0: {  	(tag) =	ssettag $0x1  }
0x1: {  	s1 =	srdreg.scid  }
0x2: {  	s0 =	stileid.u32;
	s5 =	rddreg [dreg:$0x0]  }
0x3: {  	s6 =	simm.s32 $0x80;
	s7 =	simm.s32 $0x400;
	s8 =	simm.s32 $0x1  }
0x4: {  	s3 =	sand.u32 $0x1, s1;
	s29 =	sshrl.u32 s0, $0x2;
	s2 =	sshll.u32 s0, $0x8  }
0x5: {  	s4 =	smul.u32 $0x14000, s29;
	s30 =	sshll.u32 s3, $0x7;
	s2 =	sand.u32 $0x300, s2  }
0x6: {  	s9 =	simm.s32 $0x2800;
	s1 =	rddreg [dreg:$0x1];
	s2 =	sor.u32 s30, s2  }
0x7: {  	s3 =	ssub.s32 $0x2, s3;
	s4 =	sor.u32 s4, s2;
	s2 =	simm.s32 $0x0  }
0x8: {  	s31 =	sshrl.u32 s3, $0x1;
	s4 =	sshrl.u32 s4, $0x3;
	[smem:$0x7FF] =	sst s2  }
0x9: {  	s4 =	sadd.s32 s4, s5;
	_ =	strace $0x80000047;
	s5 =	ssub.s32 s3, s31  }
0xa: {  	v0 =	vimm.f32 $0.0e+00;
	v1 =	vimm.f32 $1.000000000e+00;
	s3 =	sadd.s32 $0xCC00, s4;
	s4 =	sadd.s32 $0x16C00, s4;
	s5 =	smax.u32 s5, $0x1  }
.LBB2_1:
0xb: {  	s10 =	simm.s32 $0x40;
	s11 =	simm.s32 $0x0  }
.LBB2_2:
0xc: {  	p0 =	sne.s32 s10, $0x9FC0;
	[tilespmem:s11+$0x2800] =	vst v0;
	s11 =	smov.u32 s10;
	s10 =	sadd.s32 $0x40, s10  }
.Ltmp0:
0xd: {  	(pc) =	sbr.rel @p0 .LBB2_2-.Ltmp0, $2  }
0xe: {  	_ =	sdelay $0x2  }
0xf: {  	s11 =	sshra.s32 s11, $0x2  }
0x10: {  	[tilespmem:s11+$0x2800] =	vst v0;
	s10 =	simm.s32 $0x0  }
0x11: {  	[tilespmem:s10], [sflag:$0x1] =	stream.strided.gather [hbm4b:s3+s6], $0x2800, s7, s6, $0x38;
	[tilespmem:$0x5000] =	vst v63  }
0x12: {  	_ =	swait.ge [sflag:s8], $0x2800  }
0x13: {  	[sflag:s8] =	ssyncset.done $0x0  }
0x14: {  	s11 =	simm.s32 $0x0;
	s10 =	simm.s32 $0x40;
	[sflag:s8] =	ssyncadd.s32 $0xFFFFD800  }
.LBB2_4:
0x15: {  	p0 =	sne.s32 s10, $0x9FC0;
	v2 =	vld [tilespmem:s11+$0x0];
	_ =	sdelay $0x3  }
.Ltmp1:
0x16: {  	(pc) =	sbr.rel @p0 .LBB2_4-.Ltmp1, $2  }
0x17: {  	_ =	sdelay $0x2  }
0x18: {  	s11 =	sshra.s32 s10, $0x2;
	s10 =	sadd.s32 $0x40, s10;
	[tilespmem:v2+s9+$0x0] =	vst.idx.add.f32.msk $0xffff, v1  }
0x19: {  	v2 =	vld [tilespmem:s11+$0x0];
	_ =	sdelay $0x5  }
0x1a: {  	s2 =	sadd.s32 $0x1, s2  }
0x1b: {  	p0 =	sne.s32 s2, s5  }
.Ltmp2:
0x1c: {  	[tilespmem:v2+s9+$0x0] =	vst.idx.add.f32.msk $0xffff, v1;
	(pc) =	sbr.rel @p0 .LBB2_1-.Ltmp2, $4  }
0x1d: {  	[hbm4b:s4+s6] =	stream.strided.scatter [tilespmem:s9], [sflag:$0x1], $0x2800, s7, s6, $0x38;
	[tilespmem:$0x5000] =	vst v63  }
0x1e: {  	_ =	swait.ge [sflag:s8], $0x2800  }
0x1f: {  	[sflag:s8] =	ssyncset.done $0x0  }
0x20: {  	[sflag:s8] =	ssyncadd.s32 $0xFFFFD800  }
0x21: {  	_ =	sfence.sel $0x180000  }
0x22: {  	[bflag:$0x0] =	sbarrier.arrive $0xFFFF  }
0x23: {  	p0 =	sne.s32 s0, $0x0;
	_ =	strace $0x90000047  }
0x24: {  	s0 =	sadd.s32 @!p0 $0x100000, s1;
	[bflag:$0x2] =	sbarrier.arrive $0xFFFF  }
0x25: {  	[sflag:s0] =	ssyncadd.tile.s32 @!p0 $0x1;
	_ =	shalt  }
.Lfunc_end2:
_tile_overlayer_lowered:
.L_overlay_start_2:
0x26: {  	(tag) =	ssettag $0x2  }
0x27: {  	s0 =	rddreg [dreg:$0x0];
	s2 =	stileid.u32  }
0x28: {  	s1 =	rddreg [dreg:$0x1];
	p0 =	sne.s32 s2, $0x0  }
0x29: {  	s3 =	rddreg [dreg:$0x2];
	[bflag:$0x3] =	sbarrier.arrive $0xFFFF;
	s2 =	simm.s32 @!p0 $0x1C01  }
0x2a: {  	[timem:s3], [sflag:s2] =	dma.local @!p0 [hbm:s0], s1  }
0x2b: {  	s0 =	simm.s32 @!p0 $0x1  }
0x2c: {  	_ =	swait.ge @!p0 [sflag:s0], s1  }
0x2d: {  	s1 =	ssub.s32 @!p0 $0x0, s1;
	[sflag:s0] =	ssyncset.done @!p0 $0x0  }
0x2e: {  	[sflag:s0] =	ssyncadd.s32 @!p0 s1  }
0x2f: {  	[bflag:$0x3] =	sbarrier.arrive $0xFFFF  }
0x30: {  	_ =	shalt  }

</sc_bundles>
